<compile_context>
chip_gen: v7x
topology: tpu7x:2x2x1
jax: 0.10.2.dev20260603
libtpu: 0.0.44.dev20260713+nightly
codegen_flags: <defaults>
</compile_context>

<pallas_src>
import functools
import jax
import jax.numpy as jnp
from jax import lax
from jax.experimental import pallas as pl
from jax.experimental.pallas import tpu as pltpu
from jax.experimental.pallas import tpu_sc as plsc

_B, _D, _HW = 2, 512, 50176
_NW = 32
_PBLK = 128
_NPB = _HW // _PBLK
_NCHUNK = 2 * _NPB
_CPW = _NCHUNK // _NW
_BLK = 7168
_NBLKTC = _HW // _BLK


def _probe_sc(fmap_hbm, out_hbm, buf0, buf1, outv, sem0, sem1):
    c = lax.axis_index("c")
    s = lax.axis_index("s")
    wid = s * 2 + c
    bufs = (buf0, buf1)
    sems = (sem0, sem1)
    handles = [None, None]
    for j in range(24):
        g = wid + _NW * j
        dh = g // _NPB
        pb = g % _NPB
        slot = j % 2
        if handles[slot] is not None:
            handles[slot].wait()
        cp = pltpu.async_copy(
            fmap_hbm.at[1,
                        pl.ds(pl.multiple_of(dh * 256, 256), 256),
                        pl.ds(pl.multiple_of(pb * _PBLK, _PBLK), _PBLK)],
            bufs[slot], sems[slot])
        handles[slot] = cp
    for slot in range(2):
        if handles[slot] is not None:
            handles[slot].wait()
    outv[...] = buf0[0, pl.ds(0, 16)]
    pltpu.sync_copy(outv, out_hbm.at[wid])


def _probe_tc(f_ref, out_ref):
    k = pl.program_id(0)

    @pl.when(k == 0)
    def _():
        out_ref[:, :] = jnp.zeros((1, 1), jnp.float32)

    out_ref[:, :] += jnp.sum(f_ref[0], keepdims=True)


@jax.jit
def _run(fmap):
    fmap3 = fmap.reshape(_B, _D, _HW)
    mesh = plsc.VectorSubcoreMesh(core_axis_name="c", subcore_axis_name="s")
    sc_out = functools.partial(
        pl.kernel, _probe_sc,
        out_type=jax.ShapeDtypeStruct((_NW, 16), jnp.float32),
        mesh=mesh,
        scratch_types=[
            pltpu.VMEM((256, _PBLK), jnp.float32),
            pltpu.VMEM((256, _PBLK), jnp.float32),
            pltpu.VMEM((16,), jnp.float32),
            pltpu.SemaphoreType.DMA,
            pltpu.SemaphoreType.DMA,
        ])()(fmap3)
    tc_out = pl.pallas_call(
        _probe_tc,
        grid=(_NBLKTC,),
        in_specs=[pl.BlockSpec((1, _D, _BLK), lambda k: (0, 0, k))],
        out_specs=pl.BlockSpec((1, 1), lambda k: (0, 0)),
        out_shape=jax.ShapeDtypeStruct((1, 1), jnp.float32),
    )(fmap3)
    return tc_out[0, 0] + jnp.sum(sc_out)


def kernel(fmap, cam, cls_label, hig_thre, low_thre, bg_thre, W,
           feature_contrast):
    return _run(fmap)

# --- scband reference (transcript-rebuilt; emitter-appended) ---
"""Pipeline reference for scband-cpcloss-89893665505510 (READ-ONLY COPY).

The authoritative reference and input builder live on the scoring server;
editing this copy changes nothing except your own understanding.
"""

import jax, jax.numpy as jnp
import numpy as np

B, C, D, H, W_ = 2, 20, 512, 112, 448

def setup_inputs(seed: int = 0):
    key = jax.random.key(seed)
    k1, k2, k3, k4 = jax.random.split(key, 4)
    fmap = jax.random.normal(k1, (B, D, H, W_), dtype=jnp.float32)
    cam = jax.random.uniform(k2, (B, C, H, W_), dtype=jnp.float32)
    cls_label = jax.random.bernoulli(k3, 0.5, (B, C)).astype(jnp.float32)
    W = jax.random.normal(k4, (C, D), dtype=jnp.float32) * 0.02
    feature_contrast = jnp.zeros((C, D), dtype=jnp.float32)
    return {"fmap": fmap, "cam": cam, "cls_label": cls_label,
            "hig_thre": 0.7, "low_thre": 0.4, "bg_thre": 0.3,
            "W": W, "feature_contrast": feature_contrast}

def _normalize(x):
    return x / jnp.maximum(jnp.linalg.norm(x, axis=1, keepdims=True), 1e-12)

def _bce(p, t):
    p = jnp.clip(p, 1e-12, 1.0 - 1e-12)
    return jnp.mean(-(t * jnp.log(p) + (1.0 - t) * jnp.log(1.0 - p)))

def reference(fmap, cam, cls_label, hig_thre, low_thre, bg_thre, W, feature_contrast):
    b, c, h, w = cam.shape
    num_cls, num_dim = W.shape
    valid_cam = cls_label[:, :, None, None] * cam
    vc = jnp.moveaxis(valid_cam, 1, -1)
    vals, idxs = jax.lax.top_k(vc, 2)
    v0 = vals[..., 0]
    v1 = vals[..., 1]
    pseudo = idxs[..., 0] + 1
    pseudo = jnp.where(v0 < hig_thre, 255, pseudo)
    pseudo = jnp.where(v0 < low_thre, 0, pseudo)
    pseudo = jnp.where(v0 < bg_thre, 0, pseudo)
    pseudo = jnp.where((v0 - v1 < 0.3) & (v0 > hig_thre), 255, pseudo)
    if fmap.shape[2:] != (h, w):
        fmap = jax.image.resize(fmap, (fmap.shape[0], fmap.shape[1], h, w), method='bilinear')
    loss_ccf = jnp.float32(0.0)
    loss_cls = jnp.float32(0.0)
    fc = feature_contrast
    eye = jnp.eye(num_cls, dtype=bool)
    gd_all = jnp.eye(num_cls, dtype=jnp.float32)
    for i in range(b):
        active = cls_label[i] > 0
        fmap_i = fmap[i]
        fmap_i_flat = fmap_i.reshape(num_dim, -1)
        feats = []
        for cls0 in range(c):
            m = (pseudo[i] == cls0 + 1).astype(jnp.float32)
            count = jnp.sum(m)
            feat_mask = jnp.sum(fmap_i * m[None, :, :], axis=(1, 2)) / jnp.maximum(count, 1.0)
            flat = valid_cam[i, cls0].reshape(-1)
            _, top_idx = jax.lax.top_k(flat, 25)
            feat_topk = jnp.mean(fmap_i_flat[:, top_idx], axis=-1)
            feats.append(jnp.where(count > 0, feat_mask, feat_topk))
        fs = jnp.stack(feats, axis=0)
        fs = jnp.where(active[:, None], fs, 0.0)
        ident = jnp.diag(jnp.where(active, 1.0, 0.0).astype(jnp.float32))
        fsn = _normalize(fs)
        fcn = _normalize(fc)
        cosc = jnp.clip(jnp.abs(fsn @ fcn.T), 1e-5, 1.0 - 1e-5)
        cond = jnp.all(jnp.where(eye, 0.0, cosc) < 0.6, axis=1)
        sel = active & cond
        selF = sel.astype(jnp.float32)
        preds = fs @ W.T
        p = jax.nn.softmax(preds, axis=-1)
        p = jnp.clip(p, 1e-12, 1.0 - 1e-12)
        bce_rows = jnp.mean(-(gd_all * jnp.log(p) + (1.0 - gd_all) * jnp.log(1.0 - p)), axis=1)
        loss_cls = loss_cls + jnp.sum(selF * bce_rows)
        loss_ccf = loss_ccf + _bce(cosc, ident)
        n = jnp.sum(selF)
        fc = jnp.where(sel[:, None], 0.95 * fc + 0.05 * jax.lax.stop_gradient(fs), fc)
        loss_cls = jnp.where(n > 0, loss_cls / jnp.maximum(n, 1.0), loss_cls)
    return loss_ccf + loss_cls

if __name__ == "__main__":
    import jax
    _d = setup_inputs()
    print(jax.jit(kernel)(*tuple(_d.values())))

</pallas_src>

<mosaic_0001>
#map = affine_map<(d0, d1) -> (0, 0, 0)>
#map1 = affine_map<(d0, d1) -> (0, 0)>
module attributes {stable_mosaic.version = 14 : i64} {
  func.func @_probe_sc(%arg0: i32, %arg1: i32, %arg2: memref<2x512x50176xf32, #tpu.memory_space<hbm>>, %arg3: memref<32x16xf32, #tpu.memory_space<hbm>>, %arg4: memref<256x128xf32, #tpu.memory_space<vmem>>, %arg5: memref<256x128xf32, #tpu.memory_space<vmem>>, %arg6: memref<16xf32, #tpu.memory_space<vmem>>, %arg7: memref<!tpu.dma_semaphore, #tpu.memory_space<semaphore_mem>>, %arg8: memref<!tpu.dma_semaphore, #tpu.memory_space<semaphore_mem>>) attributes {dimension_semantics = [#tpu.dimension_semantics<core_parallel>, #tpu.dimension_semantics<subcore_parallel>], iteration_bounds = array<i64: 2, 16>, scalar_prefetch = 0 : i64, scratch_operands = 5 : i64, tpu.core_type = #tpu.core_type<sc_vector_subcore>, window_params = [{transform_indices = #map}, {transform_indices = #map1}]} {
    %mul3A = arith.constant 2 : i32
    %mul3A_0 = arith.muli %arg1, %mul3A : i32
    %add3A = arith.addi %mul3A_0, %arg0 : i32
    %add3A_1 = arith.constant 0 : i32
    %add3A_2 = arith.addi %add3A, %add3A_1 : i32
    %jit3A = arith.constant 392 : i32
    %div3A = arith.divsi %add3A_2, %jit3A : i32
    %sign3A = arith.constant 0 : i32
    %sign3A_3 = arith.cmpi sgt, %add3A_2, %sign3A : i32
    %sign3A_4 = arith.extui %sign3A_3 : i1 to i32
    %sign3A_5 = arith.constant 0 : i32
    %sign3A_6 = arith.cmpi slt, %add3A_2, %sign3A_5 : i32
    %sign3A_7 = arith.extui %sign3A_6 : i1 to i32
    %sign3A_8 = arith.subi %sign3A_4, %sign3A_7 : i32
    %sign3A_9 = arith.constant 0 : i32
    %sign3A_10 = arith.cmpi sgt, %jit3A, %sign3A_9 : i32
    %sign3A_11 = arith.extui %sign3A_10 : i1 to i32
    %sign3A_12 = arith.constant 0 : i32
    %sign3A_13 = arith.cmpi slt, %jit3A, %sign3A_12 : i32
    %sign3A_14 = arith.extui %sign3A_13 : i1 to i32
    %sign3A_15 = arith.subi %sign3A_11, %sign3A_14 : i32
    %ne3A = arith.cmpi ne, %sign3A_8, %sign3A_15 : i32
    %rem3A = arith.remsi %add3A_2, %jit3A : i32
    %ne3A_16 = arith.constant 0 : i32
    %ne3A_17 = arith.cmpi ne, %rem3A, %ne3A_16 : i32
    %and3A = arith.andi %ne3A, %ne3A_17 : i1
    %sub3A = arith.constant 1 : i32
    %sub3A_18 = arith.subi %div3A, %sub3A : i32
    %select_n3A = arith.select %and3A, %sub3A_18, %div3A : i32
    %jit3A_19 = arith.constant 392 : i32
    %eq3A = arith.constant 0 : i32
    %eq3A_20 = arith.cmpi eq, %jit3A_19, %eq3A : i32
    %jit3A_21 = arith.constant 1 : i32
    %select_n3A_22 = arith.select %eq3A_20, %jit3A_21, %jit3A_19 : i32
    %rem3A_23 = arith.remsi %add3A_2, %select_n3A_22 : i32
    %ne3A_24 = arith.constant 0 : i32
    %ne3A_25 = arith.cmpi ne, %rem3A_23, %ne3A_24 : i32
    %lt3A = arith.constant 0 : i32
    %lt3A_26 = arith.cmpi slt, %rem3A_23, %lt3A : i32
    %lt3A_27 = arith.constant 0 : i32
    %lt3A_28 = arith.cmpi slt, %select_n3A_22, %lt3A_27 : i32
    %ne3A_29 = arith.xori %lt3A_26, %lt3A_28 : i1
    %and3A_30 = arith.andi %ne3A_29, %ne3A_25 : i1
    %add3A_31 = arith.addi %rem3A_23, %select_n3A_22 : i32
    %select_n3A_32 = arith.select %and3A_30, %add3A_31, %rem3A_23 : i32
    %mul3A_33 = arith.constant 256 : i32
    %mul3A_34 = arith.muli %select_n3A, %mul3A_33 : i32
    %multiple_of3A = tpu.assume_multiple %mul3A_34, 256 : i32
    %mul3A_35 = arith.constant 128 : i32
    %mul3A_36 = arith.muli %select_n3A_32, %mul3A_35 : i32
    %multiple_of3A_37 = tpu.assume_multiple %mul3A_36, 128 : i32
    %dma_start3A = arith.constant 1 : i32
    %dma_start3A_38 = tpu.memref_slice %arg2[%dma_start3A, %multiple_of3A, %multiple_of3A_37] : memref<2x512x50176xf32, #tpu.memory_space<hbm>> -> memref<1x256x128xf32, #tpu.memory_space<hbm>>
    %dma_start3A_39 = tpu.memref_squeeze %dma_start3A_38 : memref<1x256x128xf32, #tpu.memory_space<hbm>> -> memref<256x128xf32, #tpu.memory_space<hbm>>
    %dma_start3A_40 = tpu.memref_slice %arg2[%dma_start3A, %multiple_of3A, %multiple_of3A_37] : memref<2x512x50176xf32, #tpu.memory_space<hbm>> -> memref<1x256x128xf32, #tpu.memory_space<hbm>>
    %dma_start3A_41 = tpu.memref_squeeze %dma_start3A_40 : memref<1x256x128xf32, #tpu.memory_space<hbm>> -> memref<256x128xf32, #tpu.memory_space<hbm>>
    tpu.enqueue_dma source(%dma_start3A_41 : memref<256x128xf32, #tpu.memory_space<hbm>>) target(%arg4 : memref<256x128xf32, #tpu.memory_space<vmem>>) target_semaphore(%arg7 : memref<!tpu.dma_semaphore, #tpu.memory_space<semaphore_mem>>)
    %add3A_42 = arith.constant 32 : i32
    %add3A_43 = arith.addi %add3A, %add3A_42 : i32
    %jit3A_44 = arith.constant 392 : i32
    %div3A_45 = arith.divsi %add3A_43, %jit3A_44 : i32
    %sign3A_46 = arith.constant 0 : i32
    %sign3A_47 = arith.cmpi sgt, %add3A_43, %sign3A_46 : i32
    %sign3A_48 = arith.extui %sign3A_47 : i1 to i32
    %sign3A_49 = arith.constant 0 : i32
    %sign3A_50 = arith.cmpi slt, %add3A_43, %sign3A_49 : i32
    %sign3A_51 = arith.extui %sign3A_50 : i1 to i32
    %sign3A_52 = arith.subi %sign3A_48, %sign3A_51 : i32
    %sign3A_53 = arith.constant 0 : i32
    %sign3A_54 = arith.cmpi sgt, %jit3A_44, %sign3A_53 : i32
    %sign3A_55 = arith.extui %sign3A_54 : i1 to i32
    %sign3A_56 = arith.constant 0 : i32
    %sign3A_57 = arith.cmpi slt, %jit3A_44, %sign3A_56 : i32
    %sign3A_58 = arith.extui %sign3A_57 : i1 to i32
    %sign3A_59 = arith.subi %sign3A_55, %sign3A_58 : i32
    %ne3A_60 = arith.cmpi ne, %sign3A_52, %sign3A_59 : i32
    %rem3A_61 = arith.remsi %add3A_43, %jit3A_44 : i32
    %ne3A_62 = arith.constant 0 : i32
    %ne3A_63 = arith.cmpi ne, %rem3A_61, %ne3A_62 : i32
    %and3A_64 = arith.andi %ne3A_60, %ne3A_63 : i1
    %sub3A_65 = arith.constant 1 : i32
    %sub3A_66 = arith.subi %div3A_45, %sub3A_65 : i32
    %select_n3A_67 = arith.select %and3A_64, %sub3A_66, %div3A_45 : i32
    %jit3A_68 = arith.constant 392 : i32
    %eq3A_69 = arith.constant 0 : i32
    %eq3A_70 = arith.cmpi eq, %jit3A_68, %eq3A_69 : i32
    %jit3A_71 = arith.constant 1 : i32
    %select_n3A_72 = arith.select %eq3A_70, %jit3A_71, %jit3A_68 : i32
    %rem3A_73 = arith.remsi %add3A_43, %select_n3A_72 : i32
    %ne3A_74 = arith.constant 0 : i32
    %ne3A_75 = arith.cmpi ne, %rem3A_73, %ne3A_74 : i32
    %lt3A_76 = arith.constant 0 : i32
    %lt3A_77 = arith.cmpi slt, %rem3A_73, %lt3A_76 : i32
    %lt3A_78 = arith.constant 0 : i32
    %lt3A_79 = arith.cmpi slt, %select_n3A_72, %lt3A_78 : i32
    %ne3A_80 = arith.xori %lt3A_77, %lt3A_79 : i1
    %and3A_81 = arith.andi %ne3A_80, %ne3A_75 : i1
    %add3A_82 = arith.addi %rem3A_73, %select_n3A_72 : i32
    %select_n3A_83 = arith.select %and3A_81, %add3A_82, %rem3A_73 : i32
    %mul3A_84 = arith.constant 256 : i32
    %mul3A_85 = arith.muli %select_n3A_67, %mul3A_84 : i32
    %multiple_of3A_86 = tpu.assume_multiple %mul3A_85, 256 : i32
    %mul3A_87 = arith.constant 128 : i32
    %mul3A_88 = arith.muli %select_n3A_83, %mul3A_87 : i32
    %multiple_of3A_89 = tpu.assume_multiple %mul3A_88, 128 : i32
    %dma_start3A_90 = arith.constant 1 : i32
    %dma_start3A_91 = tpu.memref_slice %arg2[%dma_start3A_90, %multiple_of3A_86, %multiple_of3A_89] : memref<2x512x50176xf32, #tpu.memory_space<hbm>> -> memref<1x256x128xf32, #tpu.memory_space<hbm>>
    %dma_start3A_92 = tpu.memref_squeeze %dma_start3A_91 : memref<1x256x128xf32, #tpu.memory_space<hbm>> -> memref<256x128xf32, #tpu.memory_space<hbm>>
    %dma_start3A_93 = tpu.memref_slice %arg2[%dma_start3A_90, %multiple_of3A_86, %multiple_of3A_89] : memref<2x512x50176xf32, #tpu.memory_space<hbm>> -> memref<1x256x128xf32, #tpu.memory_space<hbm>>
    %dma_start3A_94 = tpu.memref_squeeze %dma_start3A_93 : memref<1x256x128xf32, #tpu.memory_space<hbm>> -> memref<256x128xf32, #tpu.memory_space<hbm>>
    tpu.enqueue_dma source(%dma_start3A_94 : memref<256x128xf32, #tpu.memory_space<hbm>>) target(%arg5 : memref<256x128xf32, #tpu.memory_space<vmem>>) target_semaphore(%arg8 : memref<!tpu.dma_semaphore, #tpu.memory_space<semaphore_mem>>)
    %add3A_95 = arith.constant 64 : i32
    %add3A_96 = arith.addi %add3A, %add3A_95 : i32
    %jit3A_97 = arith.constant 392 : i32
    %div3A_98 = arith.divsi %add3A_96, %jit3A_97 : i32
    %sign3A_99 = arith.constant 0 : i32
    %sign3A_100 = arith.cmpi sgt, %add3A_96, %sign3A_99 : i32
    %sign3A_101 = arith.extui %sign3A_100 : i1 to i32
    %sign3A_102 = arith.constant 0 : i32
    %sign3A_103 = arith.cmpi slt, %add3A_96, %sign3A_102 : i32
    %sign3A_104 = arith.extui %sign3A_103 : i1 to i32
    %sign3A_105 = arith.subi %sign3A_101, %sign3A_104 : i32
    %sign3A_106 = arith.constant 0 : i32
    %sign3A_107 = arith.cmpi sgt, %jit3A_97, %sign3A_106 : i32
    %sign3A_108 = arith.extui %sign3A_107 : i1 to i32
    %sign3A_109 = arith.constant 0 : i32
    %sign3A_110 = arith.cmpi slt, %jit3A_97, %sign3A_109 : i32
    %sign3A_111 = arith.extui %sign3A_110 : i1 to i32
    %sign3A_112 = arith.subi %sign3A_108, %sign3A_111 : i32
    %ne3A_113 = arith.cmpi ne, %sign3A_105, %sign3A_112 : i32
    %rem3A_114 = arith.remsi %add3A_96, %jit3A_97 : i32
    %ne3A_115 = arith.constant 0 : i32
    %ne3A_116 = arith.cmpi ne, %rem3A_114, %ne3A_115 : i32
    %and3A_117 = arith.andi %ne3A_113, %ne3A_116 : i1
    %sub3A_118 = arith.constant 1 : i32
    %sub3A_119 = arith.subi %div3A_98, %sub3A_118 : i32
    %select_n3A_120 = arith.select %and3A_117, %sub3A_119, %div3A_98 : i32
    %jit3A_121 = arith.constant 392 : i32
    %eq3A_122 = arith.constant 0 : i32
    %eq3A_123 = arith.cmpi eq, %jit3A_121, %eq3A_122 : i32
    %jit3A_124 = arith.constant 1 : i32
    %select_n3A_125 = arith.select %eq3A_123, %jit3A_124, %jit3A_121 : i32
    %rem3A_126 = arith.remsi %add3A_96, %select_n3A_125 : i32
    %ne3A_127 = arith.constant 0 : i32
    %ne3A_128 = arith.cmpi ne, %rem3A_126, %ne3A_127 : i32
    %lt3A_129 = arith.constant 0 : i32
    %lt3A_130 = arith.cmpi slt, %rem3A_126, %lt3A_129 : i32
    %lt3A_131 = arith.constant 0 : i32
    %lt3A_132 = arith.cmpi slt, %select_n3A_125, %lt3A_131 : i32
    %ne3A_133 = arith.xori %lt3A_130, %lt3A_132 : i1
    %and3A_134 = arith.andi %ne3A_133, %ne3A_128 : i1
    %add3A_135 = arith.addi %rem3A_126, %select_n3A_125 : i32
    %select_n3A_136 = arith.select %and3A_134, %add3A_135, %rem3A_126 : i32
    %dma_wait3A = arith.constant 1 : i32
    %dma_wait3A_137 = tpu.memref_slice %arg2[%dma_wait3A, %multiple_of3A, %multiple_of3A_37] : memref<2x512x50176xf32, #tpu.memory_space<hbm>> -> memref<1x256x128xf32, #tpu.memory_space<hbm>>
    %dma_wait3A_138 = tpu.memref_squeeze %dma_wait3A_137 : memref<1x256x128xf32, #tpu.memory_space<hbm>> -> memref<256x128xf32, #tpu.memory_space<hbm>>
    %dma_wait3A_139 = tpu.memref_slice %arg2[%dma_wait3A, %multiple_of3A, %multiple_of3A_37] : memref<2x512x50176xf32, #tpu.memory_space<hbm>> -> memref<1x256x128xf32, #tpu.memory_space<hbm>>
    %dma_wait3A_140 = tpu.memref_squeeze %dma_wait3A_139 : memref<1x256x128xf32, #tpu.memory_space<hbm>> -> memref<256x128xf32, #tpu.memory_space<hbm>>
    tpu.wait_dma2 semaphore(%arg7 : memref<!tpu.dma_semaphore, #tpu.memory_space<semaphore_mem>>) src(%dma_wait3A_140 : memref<256x128xf32, #tpu.memory_space<hbm>>) dst(%arg4 : memref<256x128xf32, #tpu.memory_space<vmem>>)
    %mul3A_141 = arith.constant 256 : i32
    %mul3A_142 = arith.muli %select_n3A_120, %mul3A_141 : i32
    %multiple_of3A_143 = tpu.assume_multiple %mul3A_142, 256 : i32
    %mul3A_144 = arith.constant 128 : i32
    %mul3A_145 = arith.muli %select_n3A_136, %mul3A_144 : i32
    %multiple_of3A_146 = tpu.assume_multiple %mul3A_145, 128 : i32
    %dma_start3A_147 = arith.constant 1 : i32
    %dma_start3A_148 = tpu.memref_slice %arg2[%dma_start3A_147, %multiple_of3A_143, %multiple_of3A_146] : memref<2x512x50176xf32, #tpu.memory_space<hbm>> -> memref<1x256x128xf32, #tpu.memory_space<hbm>>
    %dma_start3A_149 = tpu.memref_squeeze %dma_start3A_148 : memref<1x256x128xf32, #tpu.memory_space<hbm>> -> memref<256x128xf32, #tpu.memory_space<hbm>>
    %dma_start3A_150 = tpu.memref_slice %arg2[%dma_start3A_147, %multiple_of3A_143, %multiple_of3A_146] : memref<2x512x50176xf32, #tpu.memory_space<hbm>> -> memref<1x256x128xf32, #tpu.memory_space<hbm>>
    %dma_start3A_151 = tpu.memref_squeeze %dma_start3A_150 : memref<1x256x128xf32, #tpu.memory_space<hbm>> -> memref<256x128xf32, #tpu.memory_space<hbm>>
    tpu.enqueue_dma source(%dma_start3A_151 : memref<256x128xf32, #tpu.memory_space<hbm>>) target(%arg4 : memref<256x128xf32, #tpu.memory_space<vmem>>) target_semaphore(%arg7 : memref<!tpu.dma_semaphore, #tpu.memory_space<semaphore_mem>>)
    %add3A_152 = arith.constant 96 : i32
    %add3A_153 = arith.addi %add3A, %add3A_152 : i32
    %jit3A_154 = arith.constant 392 : i32
    %div3A_155 = arith.divsi %add3A_153, %jit3A_154 : i32
    %sign3A_156 = arith.constant 0 : i32
    %sign3A_157 = arith.cmpi sgt, %add3A_153, %sign3A_156 : i32
    %sign3A_158 = arith.extui %sign3A_157 : i1 to i32
    %sign3A_159 = arith.constant 0 : i32
    %sign3A_160 = arith.cmpi slt, %add3A_153, %sign3A_159 : i32
    %sign3A_161 = arith.extui %sign3A_160 : i1 to i32
    %sign3A_162 = arith.subi %sign3A_158, %sign3A_161 : i32
    %sign3A_163 = arith.constant 0 : i32
    %sign3A_164 = arith.cmpi sgt, %jit3A_154, %sign3A_163 : i32
    %sign3A_165 = arith.extui %sign3A_164 : i1 to i32
    %sign3A_166 = arith.constant 0 : i32
    %sign3A_167 = arith.cmpi slt, %jit3A_154, %sign3A_166 : i32
    %sign3A_168 = arith.extui %sign3A_167 : i1 to i32
    %sign3A_169 = arith.subi %sign3A_165, %sign3A_168 : i32
    %ne3A_170 = arith.cmpi ne, %sign3A_162, %sign3A_169 : i32
    %rem3A_171 = arith.remsi %add3A_153, %jit3A_154 : i32
    %ne3A_172 = arith.constant 0 : i32
    %ne3A_173 = arith.cmpi ne, %rem3A_171, %ne3A_172 : i32
    %and3A_174 = arith.andi %ne3A_170, %ne3A_173 : i1
    %sub3A_175 = arith.constant 1 : i32
    %sub3A_176 = arith.subi %div3A_155, %sub3A_175 : i32
    %select_n3A_177 = arith.select %and3A_174, %sub3A_176, %div3A_155 : i32
    %jit3A_178 = arith.constant 392 : i32
    %eq3A_179 = arith.constant 0 : i32
    %eq3A_180 = arith.cmpi eq, %jit3A_178, %eq3A_179 : i32
    %jit3A_181 = arith.constant 1 : i32
    %select_n3A_182 = arith.select %eq3A_180, %jit3A_181, %jit3A_178 : i32
    %rem3A_183 = arith.remsi %add3A_153, %select_n3A_182 : i32
    %ne3A_184 = arith.constant 0 : i32
    %ne3A_185 = arith.cmpi ne, %rem3A_183, %ne3A_184 : i32
    %lt3A_186 = arith.constant 0 : i32
    %lt3A_187 = arith.cmpi slt, %rem3A_183, %lt3A_186 : i32
    %lt3A_188 = arith.constant 0 : i32
    %lt3A_189 = arith.cmpi slt, %select_n3A_182, %lt3A_188 : i32
    %ne3A_190 = arith.xori %lt3A_187, %lt3A_189 : i1
    %and3A_191 = arith.andi %ne3A_190, %ne3A_185 : i1
    %add3A_192 = arith.addi %rem3A_183, %select_n3A_182 : i32
    %select_n3A_193 = arith.select %and3A_191, %add3A_192, %rem3A_183 : i32
    %dma_wait3A_194 = arith.constant 1 : i32
    %dma_wait3A_195 = tpu.memref_slice %arg2[%dma_wait3A_194, %multiple_of3A_86, %multiple_of3A_89] : memref<2x512x50176xf32, #tpu.memory_space<hbm>> -> memref<1x256x128xf32, #tpu.memory_space<hbm>>
    %dma_wait3A_196 = tpu.memref_squeeze %dma_wait3A_195 : memref<1x256x128xf32, #tpu.memory_space<hbm>> -> memref<256x128xf32, #tpu.memory_space<hbm>>
    %dma_wait3A_197 = tpu.memref_slice %arg2[%dma_wait3A_194, %multiple_of3A_86, %multiple_of3A_89] : memref<2x512x50176xf32, #tpu.memory_space<hbm>> -> memref<1x256x128xf32, #tpu.memory_space<hbm>>
    %dma_wait3A_198 = tpu.memref_squeeze %dma_wait3A_197 : memref<1x256x128xf32, #tpu.memory_space<hbm>> -> memref<256x128xf32, #tpu.memory_space<hbm>>
    tpu.wait_dma2 semaphore(%arg8 : memref<!tpu.dma_semaphore, #tpu.memory_space<semaphore_mem>>) src(%dma_wait3A_198 : memref<256x128xf32, #tpu.memory_space<hbm>>) dst(%arg5 : memref<256x128xf32, #tpu.memory_space<vmem>>)
    %mul3A_199 = arith.constant 256 : i32
    %mul3A_200 = arith.muli %select_n3A_177, %mul3A_199 : i32
    %multiple_of3A_201 = tpu.assume_multiple %mul3A_200, 256 : i32
    %mul3A_202 = arith.constant 128 : i32
    %mul3A_203 = arith.muli %select_n3A_193, %mul3A_202 : i32
    %multiple_of3A_204 = tpu.assume_multiple %mul3A_203, 128 : i32
    %dma_start3A_205 = arith.constant 1 : i32
    %dma_start3A_206 = tpu.memref_slice %arg2[%dma_start3A_205, %multiple_of3A_201, %multiple_of3A_204] : memref<2x512x50176xf32, #tpu.memory_space<hbm>> -> memref<1x256x128xf32, #tpu.memory_space<hbm>>
    %dma_start3A_207 = tpu.memref_squeeze %dma_start3A_206 : memref<1x256x128xf32, #tpu.memory_space<hbm>> -> memref<256x128xf32, #tpu.memory_space<hbm>>
    %dma_start3A_208 = tpu.memref_slice %arg2[%dma_start3A_205, %multiple_of3A_201, %multiple_of3A_204] : memref<2x512x50176xf32, #tpu.memory_space<hbm>> -> memref<1x256x128xf32, #tpu.memory_space<hbm>>
    %dma_start3A_209 = tpu.memref_squeeze %dma_start3A_208 : memref<1x256x128xf32, #tpu.memory_space<hbm>> -> memref<256x128xf32, #tpu.memory_space<hbm>>
    tpu.enqueue_dma source(%dma_start3A_209 : memref<256x128xf32, #tpu.memory_space<hbm>>) target(%arg5 : memref<256x128xf32, #tpu.memory_space<vmem>>) target_semaphore(%arg8 : memref<!tpu.dma_semaphore, #tpu.memory_space<semaphore_mem>>)
    %add3A_210 = arith.constant 128 : i32
    %add3A_211 = arith.addi %add3A, %add3A_210 : i32
    %jit3A_212 = arith.constant 392 : i32
    %div3A_213 = arith.divsi %add3A_211, %jit3A_212 : i32
    %sign3A_214 = arith.constant 0 : i32
    %sign3A_215 = arith.cmpi sgt, %add3A_211, %sign3A_214 : i32
    %sign3A_216 = arith.extui %sign3A_215 : i1 to i32
    %sign3A_217 = arith.constant 0 : i32
    %sign3A_218 = arith.cmpi slt, %add3A_211, %sign3A_217 : i32
    %sign3A_219 = arith.extui %sign3A_218 : i1 to i32
    %sign3A_220 = arith.subi %sign3A_216, %sign3A_219 : i32
    %sign3A_221 = arith.constant 0 : i32
    %sign3A_222 = arith.cmpi sgt, %jit3A_212, %sign3A_221 : i32
    %sign3A_223 = arith.extui %sign3A_222 : i1 to i32
    %sign3A_224 = arith.constant 0 : i32
    %sign3A_225 = arith.cmpi slt, %jit3A_212, %sign3A_224 : i32
    %sign3A_226 = arith.extui %sign3A_225 : i1 to i32
    %sign3A_227 = arith.subi %sign3A_223, %sign3A_226 : i32
    %ne3A_228 = arith.cmpi ne, %sign3A_220, %sign3A_227 : i32
    %rem3A_229 = arith.remsi %add3A_211, %jit3A_212 : i32
    %ne3A_230 = arith.constant 0 : i32
    %ne3A_231 = arith.cmpi ne, %rem3A_229, %ne3A_230 : i32
    %and3A_232 = arith.andi %ne3A_228, %ne3A_231 : i1
    %sub3A_233 = arith.constant 1 : i32
    %sub3A_234 = arith.subi %div3A_213, %sub3A_233 : i32
    %select_n3A_235 = arith.select %and3A_232, %sub3A_234, %div3A_213 : i32
    %jit3A_236 = arith.constant 392 : i32
    %eq3A_237 = arith.constant 0 : i32
    %eq3A_238 = arith.cmpi eq, %jit3A_236, %eq3A_237 : i32
    %jit3A_239 = arith.constant 1 : i32
    %select_n3A_240 = arith.select %eq3A_238, %jit3A_239, %jit3A_236 : i32
    %rem3A_241 = arith.remsi %add3A_211, %select_n3A_240 : i32
    %ne3A_242 = arith.constant 0 : i32
    %ne3A_243 = arith.cmpi ne, %rem3A_241, %ne3A_242 : i32
    %lt3A_244 = arith.constant 0 : i32
    %lt3A_245 = arith.cmpi slt, %rem3A_241, %lt3A_244 : i32
    %lt3A_246 = arith.constant 0 : i32
    %lt3A_247 = arith.cmpi slt, %select_n3A_240, %lt3A_246 : i32
    %ne3A_248 = arith.xori %lt3A_245, %lt3A_247 : i1
    %and3A_249 = arith.andi %ne3A_248, %ne3A_243 : i1
    %add3A_250 = arith.addi %rem3A_241, %select_n3A_240 : i32
    %select_n3A_251 = arith.select %and3A_249, %add3A_250, %rem3A_241 : i32
    %dma_wait3A_252 = arith.constant 1 : i32
    %dma_wait3A_253 = tpu.memref_slice %arg2[%dma_wait3A_252, %multiple_of3A_143, %multiple_of3A_146] : memref<2x512x50176xf32, #tpu.memory_space<hbm>> -> memref<1x256x128xf32, #tpu.memory_space<hbm>>
    %dma_wait3A_254 = tpu.memref_squeeze %dma_wait3A_253 : memref<1x256x128xf32, #tpu.memory_space<hbm>> -> memref<256x128xf32, #tpu.memory_space<hbm>>
    %dma_wait3A_255 = tpu.memref_slice %arg2[%dma_wait3A_252, %multiple_of3A_143, %multiple_of3A_146] : memref<2x512x50176xf32, #tpu.memory_space<hbm>> -> memref<1x256x128xf32, #tpu.memory_space<hbm>>
    %dma_wait3A_256 = tpu.memref_squeeze %dma_wait3A_255 : memref<1x256x128xf32, #tpu.memory_space<hbm>> -> memref<256x128xf32, #tpu.memory_space<hbm>>
    tpu.wait_dma2 semaphore(%arg7 : memref<!tpu.dma_semaphore, #tpu.memory_space<semaphore_mem>>) src(%dma_wait3A_256 : memref<256x128xf32, #tpu.memory_space<hbm>>) dst(%arg4 : memref<256x128xf32, #tpu.memory_space<vmem>>)
    %mul3A_257 = arith.constant 256 : i32
    %mul3A_258 = arith.muli %select_n3A_235, %mul3A_257 : i32
    %multiple_of3A_259 = tpu.assume_multiple %mul3A_258, 256 : i32
    %mul3A_260 = arith.constant 128 : i32
    %mul3A_261 = arith.muli %select_n3A_251, %mul3A_260 : i32
    %multiple_of3A_262 = tpu.assume_multiple %mul3A_261, 128 : i32
    %dma_start3A_263 = arith.constant 1 : i32
    %dma_start3A_264 = tpu.memref_slice %arg2[%dma_start3A_263, %multiple_of3A_259, %multiple_of3A_262] : memref<2x512x50176xf32, #tpu.memory_space<hbm>> -> memref<1x256x128xf32, #tpu.memory_space<hbm>>
    %dma_start3A_265 = tpu.memref_squeeze %dma_start3A_264 : memref<1x256x128xf32, #tpu.memory_space<hbm>> -> memref<256x128xf32, #tpu.memory_space<hbm>>
    %dma_start3A_266 = tpu.memref_slice %arg2[%dma_start3A_263, %multiple_of3A_259, %multiple_of3A_262] : memref<2x512x50176xf32, #tpu.memory_space<hbm>> -> memref<1x256x128xf32, #tpu.memory_space<hbm>>
    %dma_start3A_267 = tpu.memref_squeeze %dma_start3A_266 : memref<1x256x128xf32, #tpu.memory_space<hbm>> -> memref<256x128xf32, #tpu.memory_space<hbm>>
    tpu.enqueue_dma source(%dma_start3A_267 : memref<256x128xf32, #tpu.memory_space<hbm>>) target(%arg4 : memref<256x128xf32, #tpu.memory_space<vmem>>) target_semaphore(%arg7 : memref<!tpu.dma_semaphore, #tpu.memory_space<semaphore_mem>>)
    %add3A_268 = arith.constant 160 : i32
    %add3A_269 = arith.addi %add3A, %add3A_268 : i32
    %jit3A_270 = arith.constant 392 : i32
    %div3A_271 = arith.divsi %add3A_269, %jit3A_270 : i32
    %sign3A_272 = arith.constant 0 : i32
    %sign3A_273 = arith.cmpi sgt, %add3A_269, %sign3A_272 : i32
    %sign3A_274 = arith.extui %sign3A_273 : i1 to i32
    %sign3A_275 = arith.constant 0 : i32
    %sign3A_276 = arith.cmpi slt, %add3A_269, %sign3A_275 : i32
    %sign3A_277 = arith.extui %sign3A_276 : i1 to i32
    %sign3A_278 = arith.subi %sign3A_274, %sign3A_277 : i32
    %sign3A_279 = arith.constant 0 : i32
    %sign3A_280 = arith.cmpi sgt, %jit3A_270, %sign3A_279 : i32
    %sign3A_281 = arith.extui %sign3A_280 : i1 to i32
    %sign3A_282 = arith.constant 0 : i32
    %sign3A_283 = arith.cmpi slt, %jit3A_270, %sign3A_282 : i32
    %sign3A_284 = arith.extui %sign3A_283 : i1 to i32
    %sign3A_285 = arith.subi %sign3A_281, %sign3A_284 : i32
    %ne3A_286 = arith.cmpi ne, %sign3A_278, %sign3A_285 : i32
    %rem3A_287 = arith.remsi %add3A_269, %jit3A_270 : i32
    %ne3A_288 = arith.constant 0 : i32
    %ne3A_289 = arith.cmpi ne, %rem3A_287, %ne3A_288 : i32
    %and3A_290 = arith.andi %ne3A_286, %ne3A_289 : i1
    %sub3A_291 = arith.constant 1 : i32
    %sub3A_292 = arith.subi %div3A_271, %sub3A_291 : i32
    %select_n3A_293 = arith.select %and3A_290, %sub3A_292, %div3A_271 : i32
    %jit3A_294 = arith.constant 392 : i32
    %eq3A_295 = arith.constant 0 : i32
    %eq3A_296 = arith.cmpi eq, %jit3A_294, %eq3A_295 : i32
    %jit3A_297 = arith.constant 1 : i32
    %select_n3A_298 = arith.select %eq3A_296, %jit3A_297, %jit3A_294 : i32
    %rem3A_299 = arith.remsi %add3A_269, %select_n3A_298 : i32
    %ne3A_300 = arith.constant 0 : i32
    %ne3A_301 = arith.cmpi ne, %rem3A_299, %ne3A_300 : i32
    %lt3A_302 = arith.constant 0 : i32
    %lt3A_303 = arith.cmpi slt, %rem3A_299, %lt3A_302 : i32
    %lt3A_304 = arith.constant 0 : i32
    %lt3A_305 = arith.cmpi slt, %select_n3A_298, %lt3A_304 : i32
    %ne3A_306 = arith.xori %lt3A_303, %lt3A_305 : i1
    %and3A_307 = arith.andi %ne3A_306, %ne3A_301 : i1
    %add3A_308 = arith.addi %rem3A_299, %select_n3A_298 : i32
    %select_n3A_309 = arith.select %and3A_307, %add3A_308, %rem3A_299 : i32
    %dma_wait3A_310 = arith.constant 1 : i32
    %dma_wait3A_311 = tpu.memref_slice %arg2[%dma_wait3A_310, %multiple_of3A_201, %multiple_of3A_204] : memref<2x512x50176xf32, #tpu.memory_space<hbm>> -> memref<1x256x128xf32, #tpu.memory_space<hbm>>
    %dma_wait3A_312 = tpu.memref_squeeze %dma_wait3A_311 : memref<1x256x128xf32, #tpu.memory_space<hbm>> -> memref<256x128xf32, #tpu.memory_space<hbm>>
    %dma_wait3A_313 = tpu.memref_slice %arg2[%dma_wait3A_310, %multiple_of3A_201, %multiple_of3A_204] : memref<2x512x50176xf32, #tpu.memory_space<hbm>> -> memref<1x256x128xf32, #tpu.memory_space<hbm>>
    %dma_wait3A_314 = tpu.memref_squeeze %dma_wait3A_313 : memref<1x256x128xf32, #tpu.memory_space<hbm>> -> memref<256x128xf32, #tpu.memory_space<hbm>>
    tpu.wait_dma2 semaphore(%arg8 : memref<!tpu.dma_semaphore, #tpu.memory_space<semaphore_mem>>) src(%dma_wait3A_314 : memref<256x128xf32, #tpu.memory_space<hbm>>) dst(%arg5 : memref<256x128xf32, #tpu.memory_space<vmem>>)
    %mul3A_315 = arith.constant 256 : i32
    %mul3A_316 = arith.muli %select_n3A_293, %mul3A_315 : i32
    %multiple_of3A_317 = tpu.assume_multiple %mul3A_316, 256 : i32
    %mul3A_318 = arith.constant 128 : i32
    %mul3A_319 = arith.muli %select_n3A_309, %mul3A_318 : i32
    %multiple_of3A_320 = tpu.assume_multiple %mul3A_319, 128 : i32
    %dma_start3A_321 = arith.constant 1 : i32
    %dma_start3A_322 = tpu.memref_slice %arg2[%dma_start3A_321, %multiple_of3A_317, %multiple_of3A_320] : memref<2x512x50176xf32, #tpu.memory_space<hbm>> -> memref<1x256x128xf32, #tpu.memory_space<hbm>>
    %dma_start3A_323 = tpu.memref_squeeze %dma_start3A_322 : memref<1x256x128xf32, #tpu.memory_space<hbm>> -> memref<256x128xf32, #tpu.memory_space<hbm>>
    %dma_start3A_324 = tpu.memref_slice %arg2[%dma_start3A_321, %multiple_of3A_317, %multiple_of3A_320] : memref<2x512x50176xf32, #tpu.memory_space<hbm>> -> memref<1x256x128xf32, #tpu.memory_space<hbm>>
    %dma_start3A_325 = tpu.memref_squeeze %dma_start3A_324 : memref<1x256x128xf32, #tpu.memory_space<hbm>> -> memref<256x128xf32, #tpu.memory_space<hbm>>
    tpu.enqueue_dma source(%dma_start3A_325 : memref<256x128xf32, #tpu.memory_space<hbm>>) target(%arg5 : memref<256x128xf32, #tpu.memory_space<vmem>>) target_semaphore(%arg8 : memref<!tpu.dma_semaphore, #tpu.memory_space<semaphore_mem>>)
    %add3A_326 = arith.constant 192 : i32
    %add3A_327 = arith.addi %add3A, %add3A_326 : i32
    %jit3A_328 = arith.constant 392 : i32
    %div3A_329 = arith.divsi %add3A_327, %jit3A_328 : i32
    %sign3A_330 = arith.constant 0 : i32
    %sign3A_331 = arith.cmpi sgt, %add3A_327, %sign3A_330 : i32
    %sign3A_332 = arith.extui %sign3A_331 : i1 to i32
    %sign3A_333 = arith.constant 0 : i32
    %sign3A_334 = arith.cmpi slt, %add3A_327, %sign3A_333 : i32
    %sign3A_335 = arith.extui %sign3A_334 : i1 to i32
    %sign3A_336 = arith.subi %sign3A_332, %sign3A_335 : i32
    %sign3A_337 = arith.constant 0 : i32
    %sign3A_338 = arith.cmpi sgt, %jit3A_328, %sign3A_337 : i32
    %sign3A_339 = arith.extui %sign3A_338 : i1 to i32
    %sign3A_340 = arith.constant 0 : i32
    %sign3A_341 = arith.cmpi slt, %jit3A_328, %sign3A_340 : i32
    %sign3A_342 = arith.extui %sign3A_341 : i1 to i32
    %sign3A_343 = arith.subi %sign3A_339, %sign3A_342 : i32
    %ne3A_344 = arith.cmpi ne, %sign3A_336, %sign3A_343 : i32
    %rem3A_345 = arith.remsi %add3A_327, %jit3A_328 : i32
    %ne3A_346 = arith.constant 0 : i32
    %ne3A_347 = arith.cmpi ne, %rem3A_345, %ne3A_346 : i32
    %and3A_348 = arith.andi %ne3A_344, %ne3A_347 : i1
    %sub3A_349 = arith.constant 1 : i32
    %sub3A_350 = arith.subi %div3A_329, %sub3A_349 : i32
    %select_n3A_351 = arith.select %and3A_348, %sub3A_350, %div3A_329 : i32
    %jit3A_352 = arith.constant 392 : i32
    %eq3A_353 = arith.constant 0 : i32
    %eq3A_354 = arith.cmpi eq, %jit3A_352, %eq3A_353 : i32
    %jit3A_355 = arith.constant 1 : i32
    %select_n3A_356 = arith.select %eq3A_354, %jit3A_355, %jit3A_352 : i32
    %rem3A_357 = arith.remsi %add3A_327, %select_n3A_356 : i32
    %ne3A_358 = arith.constant 0 : i32
    %ne3A_359 = arith.cmpi ne, %rem3A_357, %ne3A_358 : i32
    %lt3A_360 = arith.constant 0 : i32
    %lt3A_361 = arith.cmpi slt, %rem3A_357, %lt3A_360 : i32
    %lt3A_362 = arith.constant 0 : i32
    %lt3A_363 = arith.cmpi slt, %select_n3A_356, %lt3A_362 : i32
    %ne3A_364 = arith.xori %lt3A_361, %lt3A_363 : i1
    %and3A_365 = arith.andi %ne3A_364, %ne3A_359 : i1
    %add3A_366 = arith.addi %rem3A_357, %select_n3A_356 : i32
    %select_n3A_367 = arith.select %and3A_365, %add3A_366, %rem3A_357 : i32
    %dma_wait3A_368 = arith.constant 1 : i32
    %dma_wait3A_369 = tpu.memref_slice %arg2[%dma_wait3A_368, %multiple_of3A_259, %multiple_of3A_262] : memref<2x512x50176xf32, #tpu.memory_space<hbm>> -> memref<1x256x128xf32, #tpu.memory_space<hbm>>
    %dma_wait3A_370 = tpu.memref_squeeze %dma_wait3A_369 : memref<1x256x128xf32, #tpu.memory_space<hbm>> -> memref<256x128xf32, #tpu.memory_space<hbm>>
    %dma_wait3A_371 = tpu.memref_slice %arg2[%dma_wait3A_368, %multiple_of3A_259, %multiple_of3A_262] : memref<2x512x50176xf32, #tpu.memory_space<hbm>> -> memref<1x256x128xf32, #tpu.memory_space<hbm>>
    %dma_wait3A_372 = tpu.memref_squeeze %dma_wait3A_371 : memref<1x256x128xf32, #tpu.memory_space<hbm>> -> memref<256x128xf32, #tpu.memory_space<hbm>>
    tpu.wait_dma2 semaphore(%arg7 : memref<!tpu.dma_semaphore, #tpu.memory_space<semaphore_mem>>) src(%dma_wait3A_372 : memref<256x128xf32, #tpu.memory_space<hbm>>) dst(%arg4 : memref<256x128xf32, #tpu.memory_space<vmem>>)
    %mul3A_373 = arith.constant 256 : i32
    %mul3A_374 = arith.muli %select_n3A_351, %mul3A_373 : i32
    %multiple_of3A_375 = tpu.assume_multiple %mul3A_374, 256 : i32
    %mul3A_376 = arith.constant 128 : i32
    %mul3A_377 = arith.muli %select_n3A_367, %mul3A_376 : i32
    %multiple_of3A_378 = tpu.assume_multiple %mul3A_377, 128 : i32
    %dma_start3A_379 = arith.constant 1 : i32
    %dma_start3A_380 = tpu.memref_slice %arg2[%dma_start3A_379, %multiple_of3A_375, %multiple_of3A_378] : memref<2x512x50176xf32, #tpu.memory_space<hbm>> -> memref<1x256x128xf32, #tpu.memory_space<hbm>>
    %dma_start3A_381 = tpu.memref_squeeze %dma_start3A_380 : memref<1x256x128xf32, #tpu.memory_space<hbm>> -> memref<256x128xf32, #tpu.memory_space<hbm>>
    %dma_start3A_382 = tpu.memref_slice %arg2[%dma_start3A_379, %multiple_of3A_375, %multiple_of3A_378] : memref<2x512x50176xf32, #tpu.memory_space<hbm>> -> memref<1x256x128xf32, #tpu.memory_space<hbm>>
    %dma_start3A_383 = tpu.memref_squeeze %dma_start3A_382 : memref<1x256x128xf32, #tpu.memory_space<hbm>> -> memref<256x128xf32, #tpu.memory_space<hbm>>
    tpu.enqueue_dma source(%dma_start3A_383 : memref<256x128xf32, #tpu.memory_space<hbm>>) target(%arg4 : memref<256x128xf32, #tpu.memory_space<vmem>>) target_semaphore(%arg7 : memref<!tpu.dma_semaphore, #tpu.memory_space<semaphore_mem>>)
    %add3A_384 = arith.constant 224 : i32
    %add3A_385 = arith.addi %add3A, %add3A_384 : i32
    %jit3A_386 = arith.constant 392 : i32
    %div3A_387 = arith.divsi %add3A_385, %jit3A_386 : i32
    %sign3A_388 = arith.constant 0 : i32
    %sign3A_389 = arith.cmpi sgt, %add3A_385, %sign3A_388 : i32
    %sign3A_390 = arith.extui %sign3A_389 : i1 to i32
    %sign3A_391 = arith.constant 0 : i32
    %sign3A_392 = arith.cmpi slt, %add3A_385, %sign3A_391 : i32
    %sign3A_393 = arith.extui %sign3A_392 : i1 to i32
    %sign3A_394 = arith.subi %sign3A_390, %sign3A_393 : i32
    %sign3A_395 = arith.constant 0 : i32
    %sign3A_396 = arith.cmpi sgt, %jit3A_386, %sign3A_395 : i32
    %sign3A_397 = arith.extui %sign3A_396 : i1 to i32
    %sign3A_398 = arith.constant 0 : i32
    %sign3A_399 = arith.cmpi slt, %jit3A_386, %sign3A_398 : i32
    %sign3A_400 = arith.extui %sign3A_399 : i1 to i32
    %sign3A_401 = arith.subi %sign3A_397, %sign3A_400 : i32
    %ne3A_402 = arith.cmpi ne, %sign3A_394, %sign3A_401 : i32
    %rem3A_403 = arith.remsi %add3A_385, %jit3A_386 : i32
    %ne3A_404 = arith.constant 0 : i32
    %ne3A_405 = arith.cmpi ne, %rem3A_403, %ne3A_404 : i32
    %and3A_406 = arith.andi %ne3A_402, %ne3A_405 : i1
    %sub3A_407 = arith.constant 1 : i32
    %sub3A_408 = arith.subi %div3A_387, %sub3A_407 : i32
    %select_n3A_409 = arith.select %and3A_406, %sub3A_408, %div3A_387 : i32
    %jit3A_410 = arith.constant 392 : i32
    %eq3A_411 = arith.constant 0 : i32
    %eq3A_412 = arith.cmpi eq, %jit3A_410, %eq3A_411 : i32
    %jit3A_413 = arith.constant 1 : i32
    %select_n3A_414 = arith.select %eq3A_412, %jit3A_413, %jit3A_410 : i32
    %rem3A_415 = arith.remsi %add3A_385, %select_n3A_414 : i32
    %ne3A_416 = arith.constant 0 : i32
    %ne3A_417 = arith.cmpi ne, %rem3A_415, %ne3A_416 : i32
    %lt3A_418 = arith.constant 0 : i32
    %lt3A_419 = arith.cmpi slt, %rem3A_415, %lt3A_418 : i32
    %lt3A_420 = arith.constant 0 : i32
    %lt3A_421 = arith.cmpi slt, %select_n3A_414, %lt3A_420 : i32
    %ne3A_422 = arith.xori %lt3A_419, %lt3A_421 : i1
    %and3A_423 = arith.andi %ne3A_422, %ne3A_417 : i1
    %add3A_424 = arith.addi %rem3A_415, %select_n3A_414 : i32
    %select_n3A_425 = arith.select %and3A_423, %add3A_424, %rem3A_415 : i32
    %dma_wait3A_426 = arith.constant 1 : i32
    %dma_wait3A_427 = tpu.memref_slice %arg2[%dma_wait3A_426, %multiple_of3A_317, %multiple_of3A_320] : memref<2x512x50176xf32, #tpu.memory_space<hbm>> -> memref<1x256x128xf32, #tpu.memory_space<hbm>>
    %dma_wait3A_428 = tpu.memref_squeeze %dma_wait3A_427 : memref<1x256x128xf32, #tpu.memory_space<hbm>> -> memref<256x128xf32, #tpu.memory_space<hbm>>
    %dma_wait3A_429 = tpu.memref_slice %arg2[%dma_wait3A_426, %multiple_of3A_317, %multiple_of3A_320] : memref<2x512x50176xf32, #tpu.memory_space<hbm>> -> memref<1x256x128xf32, #tpu.memory_space<hbm>>
    %dma_wait3A_430 = tpu.memref_squeeze %dma_wait3A_429 : memref<1x256x128xf32, #tpu.memory_space<hbm>> -> memref<256x128xf32, #tpu.memory_space<hbm>>
    tpu.wait_dma2 semaphore(%arg8 : memref<!tpu.dma_semaphore, #tpu.memory_space<semaphore_mem>>) src(%dma_wait3A_430 : memref<256x128xf32, #tpu.memory_space<hbm>>) dst(%arg5 : memref<256x128xf32, #tpu.memory_space<vmem>>)
    %mul3A_431 = arith.constant 256 : i32
    %mul3A_432 = arith.muli %select_n3A_409, %mul3A_431 : i32
    %multiple_of3A_433 = tpu.assume_multiple %mul3A_432, 256 : i32
    %mul3A_434 = arith.constant 128 : i32
    %mul3A_435 = arith.muli %select_n3A_425, %mul3A_434 : i32
    %multiple_of3A_436 = tpu.assume_multiple %mul3A_435, 128 : i32
    %dma_start3A_437 = arith.constant 1 : i32
    %dma_start3A_438 = tpu.memref_slice %arg2[%dma_start3A_437, %multiple_of3A_433, %multiple_of3A_436] : memref<2x512x50176xf32, #tpu.memory_space<hbm>> -> memref<1x256x128xf32, #tpu.memory_space<hbm>>
    %dma_start3A_439 = tpu.memref_squeeze %dma_start3A_438 : memref<1x256x128xf32, #tpu.memory_space<hbm>> -> memref<256x128xf32, #tpu.memory_space<hbm>>
    %dma_start3A_440 = tpu.memref_slice %arg2[%dma_start3A_437, %multiple_of3A_433, %multiple_of3A_436] : memref<2x512x50176xf32, #tpu.memory_space<hbm>> -> memref<1x256x128xf32, #tpu.memory_space<hbm>>
    %dma_start3A_441 = tpu.memref_squeeze %dma_start3A_440 : memref<1x256x128xf32, #tpu.memory_space<hbm>> -> memref<256x128xf32, #tpu.memory_space<hbm>>
    tpu.enqueue_dma source(%dma_start3A_441 : memref<256x128xf32, #tpu.memory_space<hbm>>) target(%arg5 : memref<256x128xf32, #tpu.memory_space<vmem>>) target_semaphore(%arg8 : memref<!tpu.dma_semaphore, #tpu.memory_space<semaphore_mem>>)
    %add3A_442 = arith.constant 256 : i32
    %add3A_443 = arith.addi %add3A, %add3A_442 : i32
    %jit3A_444 = arith.constant 392 : i32
    %div3A_445 = arith.divsi %add3A_443, %jit3A_444 : i32
    %sign3A_446 = arith.constant 0 : i32
    %sign3A_447 = arith.cmpi sgt, %add3A_443, %sign3A_446 : i32
    %sign3A_448 = arith.extui %sign3A_447 : i1 to i32
    %sign3A_449 = arith.constant 0 : i32
    %sign3A_450 = arith.cmpi slt, %add3A_443, %sign3A_449 : i32
    %sign3A_451 = arith.extui %sign3A_450 : i1 to i32
    %sign3A_452 = arith.subi %sign3A_448, %sign3A_451 : i32
    %sign3A_453 = arith.constant 0 : i32
    %sign3A_454 = arith.cmpi sgt, %jit3A_444, %sign3A_453 : i32
    %sign3A_455 = arith.extui %sign3A_454 : i1 to i32
    %sign3A_456 = arith.constant 0 : i32
    %sign3A_457 = arith.cmpi slt, %jit3A_444, %sign3A_456 : i32
    %sign3A_458 = arith.extui %sign3A_457 : i1 to i32
    %sign3A_459 = arith.subi %sign3A_455, %sign3A_458 : i32
    %ne3A_460 = arith.cmpi ne, %sign3A_452, %sign3A_459 : i32
    %rem3A_461 = arith.remsi %add3A_443, %jit3A_444 : i32
    %ne3A_462 = arith.constant 0 : i32
    %ne3A_463 = arith.cmpi ne, %rem3A_461, %ne3A_462 : i32
    %and3A_464 = arith.andi %ne3A_460, %ne3A_463 : i1
    %sub3A_465 = arith.constant 1 : i32
    %sub3A_466 = arith.subi %div3A_445, %sub3A_465 : i32
    %select_n3A_467 = arith.select %and3A_464, %sub3A_466, %div3A_445 : i32
    %jit3A_468 = arith.constant 392 : i32
    %eq3A_469 = arith.constant 0 : i32
    %eq3A_470 = arith.cmpi eq, %jit3A_468, %eq3A_469 : i32
    %jit3A_471 = arith.constant 1 : i32
    %select_n3A_472 = arith.select %eq3A_470, %jit3A_471, %jit3A_468 : i32
    %rem3A_473 = arith.remsi %add3A_443, %select_n3A_472 : i32
    %ne3A_474 = arith.constant 0 : i32
    %ne3A_475 = arith.cmpi ne, %rem3A_473, %ne3A_474 : i32
    %lt3A_476 = arith.constant 0 : i32
    %lt3A_477 = arith.cmpi slt, %rem3A_473, %lt3A_476 : i32
    %lt3A_478 = arith.constant 0 : i32
    %lt3A_479 = arith.cmpi slt, %select_n3A_472, %lt3A_478 : i32
    %ne3A_480 = arith.xori %lt3A_477, %lt3A_479 : i1
    %and3A_481 = arith.andi %ne3A_480, %ne3A_475 : i1
    %add3A_482 = arith.addi %rem3A_473, %select_n3A_472 : i32
    %select_n3A_483 = arith.select %and3A_481, %add3A_482, %rem3A_473 : i32
    %dma_wait3A_484 = arith.constant 1 : i32
    %dma_wait3A_485 = tpu.memref_slice %arg2[%dma_wait3A_484, %multiple_of3A_375, %multiple_of3A_378] : memref<2x512x50176xf32, #tpu.memory_space<hbm>> -> memref<1x256x128xf32, #tpu.memory_space<hbm>>
    %dma_wait3A_486 = tpu.memref_squeeze %dma_wait3A_485 : memref<1x256x128xf32, #tpu.memory_space<hbm>> -> memref<256x128xf32, #tpu.memory_space<hbm>>
    %dma_wait3A_487 = tpu.memref_slice %arg2[%dma_wait3A_484, %multiple_of3A_375, %multiple_of3A_378] : memref<2x512x50176xf32, #tpu.memory_space<hbm>> -> memref<1x256x128xf32, #tpu.memory_space<hbm>>
    %dma_wait3A_488 = tpu.memref_squeeze %dma_wait3A_487 : memref<1x256x128xf32, #tpu.memory_space<hbm>> -> memref<256x128xf32, #tpu.memory_space<hbm>>
    tpu.wait_dma2 semaphore(%arg7 : memref<!tpu.dma_semaphore, #tpu.memory_space<semaphore_mem>>) src(%dma_wait3A_488 : memref<256x128xf32, #tpu.memory_space<hbm>>) dst(%arg4 : memref<256x128xf32, #tpu.memory_space<vmem>>)
    %mul3A_489 = arith.constant 256 : i32
    %mul3A_490 = arith.muli %select_n3A_467, %mul3A_489 : i32
    %multiple_of3A_491 = tpu.assume_multiple %mul3A_490, 256 : i32
    %mul3A_492 = arith.constant 128 : i32
    %mul3A_493 = arith.muli %select_n3A_483, %mul3A_492 : i32
    %multiple_of3A_494 = tpu.assume_multiple %mul3A_493, 128 : i32
    %dma_start3A_495 = arith.constant 1 : i32
    %dma_start3A_496 = tpu.memref_slice %arg2[%dma_start3A_495, %multiple_of3A_491, %multiple_of3A_494] : memref<2x512x50176xf32, #tpu.memory_space<hbm>> -> memref<1x256x128xf32, #tpu.memory_space<hbm>>
    %dma_start3A_497 = tpu.memref_squeeze %dma_start3A_496 : memref<1x256x128xf32, #tpu.memory_space<hbm>> -> memref<256x128xf32, #tpu.memory_space<hbm>>
    %dma_start3A_498 = tpu.memref_slice %arg2[%dma_start3A_495, %multiple_of3A_491, %multiple_of3A_494] : memref<2x512x50176xf32, #tpu.memory_space<hbm>> -> memref<1x256x128xf32, #tpu.memory_space<hbm>>
    %dma_start3A_499 = tpu.memref_squeeze %dma_start3A_498 : memref<1x256x128xf32, #tpu.memory_space<hbm>> -> memref<256x128xf32, #tpu.memory_space<hbm>>
    tpu.enqueue_dma source(%dma_start3A_499 : memref<256x128xf32, #tpu.memory_space<hbm>>) target(%arg4 : memref<256x128xf32, #tpu.memory_space<vmem>>) target_semaphore(%arg7 : memref<!tpu.dma_semaphore, #tpu.memory_space<semaphore_mem>>)
    %add3A_500 = arith.constant 288 : i32
    %add3A_501 = arith.addi %add3A, %add3A_500 : i32
    %jit3A_502 = arith.constant 392 : i32
    %div3A_503 = arith.divsi %add3A_501, %jit3A_502 : i32
    %sign3A_504 = arith.constant 0 : i32
    %sign3A_505 = arith.cmpi sgt, %add3A_501, %sign3A_504 : i32
    %sign3A_506 = arith.extui %sign3A_505 : i1 to i32
    %sign3A_507 = arith.constant 0 : i32
    %sign3A_508 = arith.cmpi slt, %add3A_501, %sign3A_507 : i32
    %sign3A_509 = arith.extui %sign3A_508 : i1 to i32
    %sign3A_510 = arith.subi %sign3A_506, %sign3A_509 : i32
    %sign3A_511 = arith.constant 0 : i32
    %sign3A_512 = arith.cmpi sgt, %jit3A_502, %sign3A_511 : i32
    %sign3A_513 = arith.extui %sign3A_512 : i1 to i32
    %sign3A_514 = arith.constant 0 : i32
    %sign3A_515 = arith.cmpi slt, %jit3A_502, %sign3A_514 : i32
    %sign3A_516 = arith.extui %sign3A_515 : i1 to i32
    %sign3A_517 = arith.subi %sign3A_513, %sign3A_516 : i32
    %ne3A_518 = arith.cmpi ne, %sign3A_510, %sign3A_517 : i32
    %rem3A_519 = arith.remsi %add3A_501, %jit3A_502 : i32
    %ne3A_520 = arith.constant 0 : i32
    %ne3A_521 = arith.cmpi ne, %rem3A_519, %ne3A_520 : i32
    %and3A_522 = arith.andi %ne3A_518, %ne3A_521 : i1
    %sub3A_523 = arith.constant 1 : i32
    %sub3A_524 = arith.subi %div3A_503, %sub3A_523 : i32
    %select_n3A_525 = arith.select %and3A_522, %sub3A_524, %div3A_503 : i32
    %jit3A_526 = arith.constant 392 : i32
    %eq3A_527 = arith.constant 0 : i32
    %eq3A_528 = arith.cmpi eq, %jit3A_526, %eq3A_527 : i32
    %jit3A_529 = arith.constant 1 : i32
    %select_n3A_530 = arith.select %eq3A_528, %jit3A_529, %jit3A_526 : i32
    %rem3A_531 = arith.remsi %add3A_501, %select_n3A_530 : i32
    %ne3A_532 = arith.constant 0 : i32
    %ne3A_533 = arith.cmpi ne, %rem3A_531, %ne3A_532 : i32
    %lt3A_534 = arith.constant 0 : i32
    %lt3A_535 = arith.cmpi slt, %rem3A_531, %lt3A_534 : i32
    %lt3A_536 = arith.constant 0 : i32
    %lt3A_537 = arith.cmpi slt, %select_n3A_530, %lt3A_536 : i32
    %ne3A_538 = arith.xori %lt3A_535, %lt3A_537 : i1
    %and3A_539 = arith.andi %ne3A_538, %ne3A_533 : i1
    %add3A_540 = arith.addi %rem3A_531, %select_n3A_530 : i32
    %select_n3A_541 = arith.select %and3A_539, %add3A_540, %rem3A_531 : i32
    %dma_wait3A_542 = arith.constant 1 : i32
    %dma_wait3A_543 = tpu.memref_slice %arg2[%dma_wait3A_542, %multiple_of3A_433, %multiple_of3A_436] : memref<2x512x50176xf32, #tpu.memory_space<hbm>> -> memref<1x256x128xf32, #tpu.memory_space<hbm>>
    %dma_wait3A_544 = tpu.memref_squeeze %dma_wait3A_543 : memref<1x256x128xf32, #tpu.memory_space<hbm>> -> memref<256x128xf32, #tpu.memory_space<hbm>>
    %dma_wait3A_545 = tpu.memref_slice %arg2[%dma_wait3A_542, %multiple_of3A_433, %multiple_of3A_436] : memref<2x512x50176xf32, #tpu.memory_space<hbm>> -> memref<1x256x128xf32, #tpu.memory_space<hbm>>
    %dma_wait3A_546 = tpu.memref_squeeze %dma_wait3A_545 : memref<1x256x128xf32, #tpu.memory_space<hbm>> -> memref<256x128xf32, #tpu.memory_space<hbm>>
    tpu.wait_dma2 semaphore(%arg8 : memref<!tpu.dma_semaphore, #tpu.memory_space<semaphore_mem>>) src(%dma_wait3A_546 : memref<256x128xf32, #tpu.memory_space<hbm>>) dst(%arg5 : memref<256x128xf32, #tpu.memory_space<vmem>>)
    %mul3A_547 = arith.constant 256 : i32
    %mul3A_548 = arith.muli %select_n3A_525, %mul3A_547 : i32
    %multiple_of3A_549 = tpu.assume_multiple %mul3A_548, 256 : i32
    %mul3A_550 = arith.constant 128 : i32
    %mul3A_551 = arith.muli %select_n3A_541, %mul3A_550 : i32
    %multiple_of3A_552 = tpu.assume_multiple %mul3A_551, 128 : i32
    %dma_start3A_553 = arith.constant 1 : i32
    %dma_start3A_554 = tpu.memref_slice %arg2[%dma_start3A_553, %multiple_of3A_549, %multiple_of3A_552] : memref<2x512x50176xf32, #tpu.memory_space<hbm>> -> memref<1x256x128xf32, #tpu.memory_space<hbm>>
    %dma_start3A_555 = tpu.memref_squeeze %dma_start3A_554 : memref<1x256x128xf32, #tpu.memory_space<hbm>> -> memref<256x128xf32, #tpu.memory_space<hbm>>
    %dma_start3A_556 = tpu.memref_slice %arg2[%dma_start3A_553, %multiple_of3A_549, %multiple_of3A_552] : memref<2x512x50176xf32, #tpu.memory_space<hbm>> -> memref<1x256x128xf32, #tpu.memory_space<hbm>>
    %dma_start3A_557 = tpu.memref_squeeze %dma_start3A_556 : memref<1x256x128xf32, #tpu.memory_space<hbm>> -> memref<256x128xf32, #tpu.memory_space<hbm>>
    tpu.enqueue_dma source(%dma_start3A_557 : memref<256x128xf32, #tpu.memory_space<hbm>>) target(%arg5 : memref<256x128xf32, #tpu.memory_space<vmem>>) target_semaphore(%arg8 : memref<!tpu.dma_semaphore, #tpu.memory_space<semaphore_mem>>)
    %add3A_558 = arith.constant 320 : i32
    %add3A_559 = arith.addi %add3A, %add3A_558 : i32
    %jit3A_560 = arith.constant 392 : i32
    %div3A_561 = arith.divsi %add3A_559, %jit3A_560 : i32
    %sign3A_562 = arith.constant 0 : i32
    %sign3A_563 = arith.cmpi sgt, %add3A_559, %sign3A_562 : i32
    %sign3A_564 = arith.extui %sign3A_563 : i1 to i32
    %sign3A_565 = arith.constant 0 : i32
    %sign3A_566 = arith.cmpi slt, %add3A_559, %sign3A_565 : i32
    %sign3A_567 = arith.extui %sign3A_566 : i1 to i32
    %sign3A_568 = arith.subi %sign3A_564, %sign3A_567 : i32
    %sign3A_569 = arith.constant 0 : i32
    %sign3A_570 = arith.cmpi sgt, %jit3A_560, %sign3A_569 : i32
    %sign3A_571 = arith.extui %sign3A_570 : i1 to i32
    %sign3A_572 = arith.constant 0 : i32
    %sign3A_573 = arith.cmpi slt, %jit3A_560, %sign3A_572 : i32
    %sign3A_574 = arith.extui %sign3A_573 : i1 to i32
    %sign3A_575 = arith.subi %sign3A_571, %sign3A_574 : i32
    %ne3A_576 = arith.cmpi ne, %sign3A_568, %sign3A_575 : i32
    %rem3A_577 = arith.remsi %add3A_559, %jit3A_560 : i32
    %ne3A_578 = arith.constant 0 : i32
    %ne3A_579 = arith.cmpi ne, %rem3A_577, %ne3A_578 : i32
    %and3A_580 = arith.andi %ne3A_576, %ne3A_579 : i1
    %sub3A_581 = arith.constant 1 : i32
    %sub3A_582 = arith.subi %div3A_561, %sub3A_581 : i32
    %select_n3A_583 = arith.select %and3A_580, %sub3A_582, %div3A_561 : i32
    %jit3A_584 = arith.constant 392 : i32
    %eq3A_585 = arith.constant 0 : i32
    %eq3A_586 = arith.cmpi eq, %jit3A_584, %eq3A_585 : i32
    %jit3A_587 = arith.constant 1 : i32
    %select_n3A_588 = arith.select %eq3A_586, %jit3A_587, %jit3A_584 : i32
    %rem3A_589 = arith.remsi %add3A_559, %select_n3A_588 : i32
    %ne3A_590 = arith.constant 0 : i32
    %ne3A_591 = arith.cmpi ne, %rem3A_589, %ne3A_590 : i32
    %lt3A_592 = arith.constant 0 : i32
    %lt3A_593 = arith.cmpi slt, %rem3A_589, %lt3A_592 : i32
    %lt3A_594 = arith.constant 0 : i32
    %lt3A_595 = arith.cmpi slt, %select_n3A_588, %lt3A_594 : i32
    %ne3A_596 = arith.xori %lt3A_593, %lt3A_595 : i1
    %and3A_597 = arith.andi %ne3A_596, %ne3A_591 : i1
    %add3A_598 = arith.addi %rem3A_589, %select_n3A_588 : i32
    %select_n3A_599 = arith.select %and3A_597, %add3A_598, %rem3A_589 : i32
    %dma_wait3A_600 = arith.constant 1 : i32
    %dma_wait3A_601 = tpu.memref_slice %arg2[%dma_wait3A_600, %multiple_of3A_491, %multiple_of3A_494] : memref<2x512x50176xf32, #tpu.memory_space<hbm>> -> memref<1x256x128xf32, #tpu.memory_space<hbm>>
    %dma_wait3A_602 = tpu.memref_squeeze %dma_wait3A_601 : memref<1x256x128xf32, #tpu.memory_space<hbm>> -> memref<256x128xf32, #tpu.memory_space<hbm>>
    %dma_wait3A_603 = tpu.memref_slice %arg2[%dma_wait3A_600, %multiple_of3A_491, %multiple_of3A_494] : memref<2x512x50176xf32, #tpu.memory_space<hbm>> -> memref<1x256x128xf32, #tpu.memory_space<hbm>>
    %dma_wait3A_604 = tpu.memref_squeeze %dma_wait3A_603 : memref<1x256x128xf32, #tpu.memory_space<hbm>> -> memref<256x128xf32, #tpu.memory_space<hbm>>
    tpu.wait_dma2 semaphore(%arg7 : memref<!tpu.dma_semaphore, #tpu.memory_space<semaphore_mem>>) src(%dma_wait3A_604 : memref<256x128xf32, #tpu.memory_space<hbm>>) dst(%arg4 : memref<256x128xf32, #tpu.memory_space<vmem>>)
    %mul3A_605 = arith.constant 256 : i32
    %mul3A_606 = arith.muli %select_n3A_583, %mul3A_605 : i32
    %multiple_of3A_607 = tpu.assume_multiple %mul3A_606, 256 : i32
    %mul3A_608 = arith.constant 128 : i32
    %mul3A_609 = arith.muli %select_n3A_599, %mul3A_608 : i32
    %multiple_of3A_610 = tpu.assume_multiple %mul3A_609, 128 : i32
    %dma_start3A_611 = arith.constant 1 : i32
    %dma_start3A_612 = tpu.memref_slice %arg2[%dma_start3A_611, %multiple_of3A_607, %multiple_of3A_610] : memref<2x512x50176xf32, #tpu.memory_space<hbm>> -> memref<1x256x128xf32, #tpu.memory_space<hbm>>
    %dma_start3A_613 = tpu.memref_squeeze %dma_start3A_612 : memref<1x256x128xf32, #tpu.memory_space<hbm>> -> memref<256x128xf32, #tpu.memory_space<hbm>>
    %dma_start3A_614 = tpu.memref_slice %arg2[%dma_start3A_611, %multiple_of3A_607, %multiple_of3A_610] : memref<2x512x50176xf32, #tpu.memory_space<hbm>> -> memref<1x256x128xf32, #tpu.memory_space<hbm>>
    %dma_start3A_615 = tpu.memref_squeeze %dma_start3A_614 : memref<1x256x128xf32, #tpu.memory_space<hbm>> -> memref<256x128xf32, #tpu.memory_space<hbm>>
    tpu.enqueue_dma source(%dma_start3A_615 : memref<256x128xf32, #tpu.memory_space<hbm>>) target(%arg4 : memref<256x128xf32, #tpu.memory_space<vmem>>) target_semaphore(%arg7 : memref<!tpu.dma_semaphore, #tpu.memory_space<semaphore_mem>>)
    %add3A_616 = arith.constant 352 : i32
    %add3A_617 = arith.addi %add3A, %add3A_616 : i32
    %jit3A_618 = arith.constant 392 : i32
    %div3A_619 = arith.divsi %add3A_617, %jit3A_618 : i32
    %sign3A_620 = arith.constant 0 : i32
    %sign3A_621 = arith.cmpi sgt, %add3A_617, %sign3A_620 : i32
    %sign3A_622 = arith.extui %sign3A_621 : i1 to i32
    %sign3A_623 = arith.constant 0 : i32
    %sign3A_624 = arith.cmpi slt, %add3A_617, %sign3A_623 : i32
    %sign3A_625 = arith.extui %sign3A_624 : i1 to i32
    %sign3A_626 = arith.subi %sign3A_622, %sign3A_625 : i32
    %sign3A_627 = arith.constant 0 : i32
    %sign3A_628 = arith.cmpi sgt, %jit3A_618, %sign3A_627 : i32
    %sign3A_629 = arith.extui %sign3A_628 : i1 to i32
    %sign3A_630 = arith.constant 0 : i32
    %sign3A_631 = arith.cmpi slt, %jit3A_618, %sign3A_630 : i32
    %sign3A_632 = arith.extui %sign3A_631 : i1 to i32
    %sign3A_633 = arith.subi %sign3A_629, %sign3A_632 : i32
    %ne3A_634 = arith.cmpi ne, %sign3A_626, %sign3A_633 : i32
    %rem3A_635 = arith.remsi %add3A_617, %jit3A_618 : i32
    %ne3A_636 = arith.constant 0 : i32
    %ne3A_637 = arith.cmpi ne, %rem3A_635, %ne3A_636 : i32
    %and3A_638 = arith.andi %ne3A_634, %ne3A_637 : i1
    %sub3A_639 = arith.constant 1 : i32
    %sub3A_640 = arith.subi %div3A_619, %sub3A_639 : i32
    %select_n3A_641 = arith.select %and3A_638, %sub3A_640, %div3A_619 : i32
    %jit3A_642 = arith.constant 392 : i32
    %eq3A_643 = arith.constant 0 : i32
    %eq3A_644 = arith.cmpi eq, %jit3A_642, %eq3A_643 : i32
    %jit3A_645 = arith.constant 1 : i32
    %select_n3A_646 = arith.select %eq3A_644, %jit3A_645, %jit3A_642 : i32
    %rem3A_647 = arith.remsi %add3A_617, %select_n3A_646 : i32
    %ne3A_648 = arith.constant 0 : i32
    %ne3A_649 = arith.cmpi ne, %rem3A_647, %ne3A_648 : i32
    %lt3A_650 = arith.constant 0 : i32
    %lt3A_651 = arith.cmpi slt, %rem3A_647, %lt3A_650 : i32
    %lt3A_652 = arith.constant 0 : i32
    %lt3A_653 = arith.cmpi slt, %select_n3A_646, %lt3A_652 : i32
    %ne3A_654 = arith.xori %lt3A_651, %lt3A_653 : i1
    %and3A_655 = arith.andi %ne3A_654, %ne3A_649 : i1
    %add3A_656 = arith.addi %rem3A_647, %select_n3A_646 : i32
    %select_n3A_657 = arith.select %and3A_655, %add3A_656, %rem3A_647 : i32
    %dma_wait3A_658 = arith.constant 1 : i32
    %dma_wait3A_659 = tpu.memref_slice %arg2[%dma_wait3A_658, %multiple_of3A_549, %multiple_of3A_552] : memref<2x512x50176xf32, #tpu.memory_space<hbm>> -> memref<1x256x128xf32, #tpu.memory_space<hbm>>
    %dma_wait3A_660 = tpu.memref_squeeze %dma_wait3A_659 : memref<1x256x128xf32, #tpu.memory_space<hbm>> -> memref<256x128xf32, #tpu.memory_space<hbm>>
    %dma_wait3A_661 = tpu.memref_slice %arg2[%dma_wait3A_658, %multiple_of3A_549, %multiple_of3A_552] : memref<2x512x50176xf32, #tpu.memory_space<hbm>> -> memref<1x256x128xf32, #tpu.memory_space<hbm>>
    %dma_wait3A_662 = tpu.memref_squeeze %dma_wait3A_661 : memref<1x256x128xf32, #tpu.memory_space<hbm>> -> memref<256x128xf32, #tpu.memory_space<hbm>>
    tpu.wait_dma2 semaphore(%arg8 : memref<!tpu.dma_semaphore, #tpu.memory_space<semaphore_mem>>) src(%dma_wait3A_662 : memref<256x128xf32, #tpu.memory_space<hbm>>) dst(%arg5 : memref<256x128xf32, #tpu.memory_space<vmem>>)
    %mul3A_663 = arith.constant 256 : i32
    %mul3A_664 = arith.muli %select_n3A_641, %mul3A_663 : i32
    %multiple_of3A_665 = tpu.assume_multiple %mul3A_664, 256 : i32
    %mul3A_666 = arith.constant 128 : i32
    %mul3A_667 = arith.muli %select_n3A_657, %mul3A_666 : i32
    %multiple_of3A_668 = tpu.assume_multiple %mul3A_667, 128 : i32
    %dma_start3A_669 = arith.constant 1 : i32
    %dma_start3A_670 = tpu.memref_slice %arg2[%dma_start3A_669, %multiple_of3A_665, %multiple_of3A_668] : memref<2x512x50176xf32, #tpu.memory_space<hbm>> -> memref<1x256x128xf32, #tpu.memory_space<hbm>>
    %dma_start3A_671 = tpu.memref_squeeze %dma_start3A_670 : memref<1x256x128xf32, #tpu.memory_space<hbm>> -> memref<256x128xf32, #tpu.memory_space<hbm>>
    %dma_start3A_672 = tpu.memref_slice %arg2[%dma_start3A_669, %multiple_of3A_665, %multiple_of3A_668] : memref<2x512x50176xf32, #tpu.memory_space<hbm>> -> memref<1x256x128xf32, #tpu.memory_space<hbm>>
    %dma_start3A_673 = tpu.memref_squeeze %dma_start3A_672 : memref<1x256x128xf32, #tpu.memory_space<hbm>> -> memref<256x128xf32, #tpu.memory_space<hbm>>
    tpu.enqueue_dma source(%dma_start3A_673 : memref<256x128xf32, #tpu.memory_space<hbm>>) target(%arg5 : memref<256x128xf32, #tpu.memory_space<vmem>>) target_semaphore(%arg8 : memref<!tpu.dma_semaphore, #tpu.memory_space<semaphore_mem>>)
    %add3A_674 = arith.constant 384 : i32
    %add3A_675 = arith.addi %add3A, %add3A_674 : i32
    %jit3A_676 = arith.constant 392 : i32
    %div3A_677 = arith.divsi %add3A_675, %jit3A_676 : i32
    %sign3A_678 = arith.constant 0 : i32
    %sign3A_679 = arith.cmpi sgt, %add3A_675, %sign3A_678 : i32
    %sign3A_680 = arith.extui %sign3A_679 : i1 to i32
    %sign3A_681 = arith.constant 0 : i32
    %sign3A_682 = arith.cmpi slt, %add3A_675, %sign3A_681 : i32
    %sign3A_683 = arith.extui %sign3A_682 : i1 to i32
    %sign3A_684 = arith.subi %sign3A_680, %sign3A_683 : i32
    %sign3A_685 = arith.constant 0 : i32
    %sign3A_686 = arith.cmpi sgt, %jit3A_676, %sign3A_685 : i32
    %sign3A_687 = arith.extui %sign3A_686 : i1 to i32
    %sign3A_688 = arith.constant 0 : i32
    %sign3A_689 = arith.cmpi slt, %jit3A_676, %sign3A_688 : i32
    %sign3A_690 = arith.extui %sign3A_689 : i1 to i32
    %sign3A_691 = arith.subi %sign3A_687, %sign3A_690 : i32
    %ne3A_692 = arith.cmpi ne, %sign3A_684, %sign3A_691 : i32
    %rem3A_693 = arith.remsi %add3A_675, %jit3A_676 : i32
    %ne3A_694 = arith.constant 0 : i32
    %ne3A_695 = arith.cmpi ne, %rem3A_693, %ne3A_694 : i32
    %and3A_696 = arith.andi %ne3A_692, %ne3A_695 : i1
    %sub3A_697 = arith.constant 1 : i32
    %sub3A_698 = arith.subi %div3A_677, %sub3A_697 : i32
    %select_n3A_699 = arith.select %and3A_696, %sub3A_698, %div3A_677 : i32
    %jit3A_700 = arith.constant 392 : i32
    %eq3A_701 = arith.constant 0 : i32
    %eq3A_702 = arith.cmpi eq, %jit3A_700, %eq3A_701 : i32
    %jit3A_703 = arith.constant 1 : i32
    %select_n3A_704 = arith.select %eq3A_702, %jit3A_703, %jit3A_700 : i32
    %rem3A_705 = arith.remsi %add3A_675, %select_n3A_704 : i32
    %ne3A_706 = arith.constant 0 : i32
    %ne3A_707 = arith.cmpi ne, %rem3A_705, %ne3A_706 : i32
    %lt3A_708 = arith.constant 0 : i32
    %lt3A_709 = arith.cmpi slt, %rem3A_705, %lt3A_708 : i32
    %lt3A_710 = arith.constant 0 : i32
    %lt3A_711 = arith.cmpi slt, %select_n3A_704, %lt3A_710 : i32
    %ne3A_712 = arith.xori %lt3A_709, %lt3A_711 : i1
    %and3A_713 = arith.andi %ne3A_712, %ne3A_707 : i1
    %add3A_714 = arith.addi %rem3A_705, %select_n3A_704 : i32
    %select_n3A_715 = arith.select %and3A_713, %add3A_714, %rem3A_705 : i32
    %dma_wait3A_716 = arith.constant 1 : i32
    %dma_wait3A_717 = tpu.memref_slice %arg2[%dma_wait3A_716, %multiple_of3A_607, %multiple_of3A_610] : memref<2x512x50176xf32, #tpu.memory_space<hbm>> -> memref<1x256x128xf32, #tpu.memory_space<hbm>>
    %dma_wait3A_718 = tpu.memref_squeeze %dma_wait3A_717 : memref<1x256x128xf32, #tpu.memory_space<hbm>> -> memref<256x128xf32, #tpu.memory_space<hbm>>
    %dma_wait3A_719 = tpu.memref_slice %arg2[%dma_wait3A_716, %multiple_of3A_607, %multiple_of3A_610] : memref<2x512x50176xf32, #tpu.memory_space<hbm>> -> memref<1x256x128xf32, #tpu.memory_space<hbm>>
    %dma_wait3A_720 = tpu.memref_squeeze %dma_wait3A_719 : memref<1x256x128xf32, #tpu.memory_space<hbm>> -> memref<256x128xf32, #tpu.memory_space<hbm>>
    tpu.wait_dma2 semaphore(%arg7 : memref<!tpu.dma_semaphore, #tpu.memory_space<semaphore_mem>>) src(%dma_wait3A_720 : memref<256x128xf32, #tpu.memory_space<hbm>>) dst(%arg4 : memref<256x128xf32, #tpu.memory_space<vmem>>)
    %mul3A_721 = arith.constant 256 : i32
    %mul3A_722 = arith.muli %select_n3A_699, %mul3A_721 : i32
    %multiple_of3A_723 = tpu.assume_multiple %mul3A_722, 256 : i32
    %mul3A_724 = arith.constant 128 : i32
    %mul3A_725 = arith.muli %select_n3A_715, %mul3A_724 : i32
    %multiple_of3A_726 = tpu.assume_multiple %mul3A_725, 128 : i32
    %dma_start3A_727 = arith.constant 1 : i32
    %dma_start3A_728 = tpu.memref_slice %arg2[%dma_start3A_727, %multiple_of3A_723, %multiple_of3A_726] : memref<2x512x50176xf32, #tpu.memory_space<hbm>> -> memref<1x256x128xf32, #tpu.memory_space<hbm>>
    %dma_start3A_729 = tpu.memref_squeeze %dma_start3A_728 : memref<1x256x128xf32, #tpu.memory_space<hbm>> -> memref<256x128xf32, #tpu.memory_space<hbm>>
    %dma_start3A_730 = tpu.memref_slice %arg2[%dma_start3A_727, %multiple_of3A_723, %multiple_of3A_726] : memref<2x512x50176xf32, #tpu.memory_space<hbm>> -> memref<1x256x128xf32, #tpu.memory_space<hbm>>
    %dma_start3A_731 = tpu.memref_squeeze %dma_start3A_730 : memref<1x256x128xf32, #tpu.memory_space<hbm>> -> memref<256x128xf32, #tpu.memory_space<hbm>>
    tpu.enqueue_dma source(%dma_start3A_731 : memref<256x128xf32, #tpu.memory_space<hbm>>) target(%arg4 : memref<256x128xf32, #tpu.memory_space<vmem>>) target_semaphore(%arg7 : memref<!tpu.dma_semaphore, #tpu.memory_space<semaphore_mem>>)
    %add3A_732 = arith.constant 416 : i32
    %add3A_733 = arith.addi %add3A, %add3A_732 : i32
    %jit3A_734 = arith.constant 392 : i32
    %div3A_735 = arith.divsi %add3A_733, %jit3A_734 : i32
    %sign3A_736 = arith.constant 0 : i32
    %sign3A_737 = arith.cmpi sgt, %add3A_733, %sign3A_736 : i32
    %sign3A_738 = arith.extui %sign3A_737 : i1 to i32
    %sign3A_739 = arith.constant 0 : i32
    %sign3A_740 = arith.cmpi slt, %add3A_733, %sign3A_739 : i32
    %sign3A_741 = arith.extui %sign3A_740 : i1 to i32
    %sign3A_742 = arith.subi %sign3A_738, %sign3A_741 : i32
    %sign3A_743 = arith.constant 0 : i32
    %sign3A_744 = arith.cmpi sgt, %jit3A_734, %sign3A_743 : i32
    %sign3A_745 = arith.extui %sign3A_744 : i1 to i32
    %sign3A_746 = arith.constant 0 : i32
    %sign3A_747 = arith.cmpi slt, %jit3A_734, %sign3A_746 : i32
    %sign3A_748 = arith.extui %sign3A_747 : i1 to i32
    %sign3A_749 = arith.subi %sign3A_745, %sign3A_748 : i32
    %ne3A_750 = arith.cmpi ne, %sign3A_742, %sign3A_749 : i32
    %rem3A_751 = arith.remsi %add3A_733, %jit3A_734 : i32
    %ne3A_752 = arith.constant 0 : i32
    %ne3A_753 = arith.cmpi ne, %rem3A_751, %ne3A_752 : i32
    %and3A_754 = arith.andi %ne3A_750, %ne3A_753 : i1
    %sub3A_755 = arith.constant 1 : i32
    %sub3A_756 = arith.subi %div3A_735, %sub3A_755 : i32
    %select_n3A_757 = arith.select %and3A_754, %sub3A_756, %div3A_735 : i32
    %jit3A_758 = arith.constant 392 : i32
    %eq3A_759 = arith.constant 0 : i32
    %eq3A_760 = arith.cmpi eq, %jit3A_758, %eq3A_759 : i32
    %jit3A_761 = arith.constant 1 : i32
    %select_n3A_762 = arith.select %eq3A_760, %jit3A_761, %jit3A_758 : i32
    %rem3A_763 = arith.remsi %add3A_733, %select_n3A_762 : i32
    %ne3A_764 = arith.constant 0 : i32
    %ne3A_765 = arith.cmpi ne, %rem3A_763, %ne3A_764 : i32
    %lt3A_766 = arith.constant 0 : i32
    %lt3A_767 = arith.cmpi slt, %rem3A_763, %lt3A_766 : i32
    %lt3A_768 = arith.constant 0 : i32
    %lt3A_769 = arith.cmpi slt, %select_n3A_762, %lt3A_768 : i32
    %ne3A_770 = arith.xori %lt3A_767, %lt3A_769 : i1
    %and3A_771 = arith.andi %ne3A_770, %ne3A_765 : i1
    %add3A_772 = arith.addi %rem3A_763, %select_n3A_762 : i32
    %select_n3A_773 = arith.select %and3A_771, %add3A_772, %rem3A_763 : i32
    %dma_wait3A_774 = arith.constant 1 : i32
    %dma_wait3A_775 = tpu.memref_slice %arg2[%dma_wait3A_774, %multiple_of3A_665, %multiple_of3A_668] : memref<2x512x50176xf32, #tpu.memory_space<hbm>> -> memref<1x256x128xf32, #tpu.memory_space<hbm>>
    %dma_wait3A_776 = tpu.memref_squeeze %dma_wait3A_775 : memref<1x256x128xf32, #tpu.memory_space<hbm>> -> memref<256x128xf32, #tpu.memory_space<hbm>>
    %dma_wait3A_777 = tpu.memref_slice %arg2[%dma_wait3A_774, %multiple_of3A_665, %multiple_of3A_668] : memref<2x512x50176xf32, #tpu.memory_space<hbm>> -> memref<1x256x128xf32, #tpu.memory_space<hbm>>
    %dma_wait3A_778 = tpu.memref_squeeze %dma_wait3A_777 : memref<1x256x128xf32, #tpu.memory_space<hbm>> -> memref<256x128xf32, #tpu.memory_space<hbm>>
    tpu.wait_dma2 semaphore(%arg8 : memref<!tpu.dma_semaphore, #tpu.memory_space<semaphore_mem>>) src(%dma_wait3A_778 : memref<256x128xf32, #tpu.memory_space<hbm>>) dst(%arg5 : memref<256x128xf32, #tpu.memory_space<vmem>>)
    %mul3A_779 = arith.constant 256 : i32
    %mul3A_780 = arith.muli %select_n3A_757, %mul3A_779 : i32
    %multiple_of3A_781 = tpu.assume_multiple %mul3A_780, 256 : i32
    %mul3A_782 = arith.constant 128 : i32
    %mul3A_783 = arith.muli %select_n3A_773, %mul3A_782 : i32
    %multiple_of3A_784 = tpu.assume_multiple %mul3A_783, 128 : i32
    %dma_start3A_785 = arith.constant 1 : i32
    %dma_start3A_786 = tpu.memref_slice %arg2[%dma_start3A_785, %multiple_of3A_781, %multiple_of3A_784] : memref<2x512x50176xf32, #tpu.memory_space<hbm>> -> memref<1x256x128xf32, #tpu.memory_space<hbm>>
    %dma_start3A_787 = tpu.memref_squeeze %dma_start3A_786 : memref<1x256x128xf32, #tpu.memory_space<hbm>> -> memref<256x128xf32, #tpu.memory_space<hbm>>
    %dma_start3A_788 = tpu.memref_slice %arg2[%dma_start3A_785, %multiple_of3A_781, %multiple_of3A_784] : memref<2x512x50176xf32, #tpu.memory_space<hbm>> -> memref<1x256x128xf32, #tpu.memory_space<hbm>>
    %dma_start3A_789 = tpu.memref_squeeze %dma_start3A_788 : memref<1x256x128xf32, #tpu.memory_space<hbm>> -> memref<256x128xf32, #tpu.memory_space<hbm>>
    tpu.enqueue_dma source(%dma_start3A_789 : memref<256x128xf32, #tpu.memory_space<hbm>>) target(%arg5 : memref<256x128xf32, #tpu.memory_space<vmem>>) target_semaphore(%arg8 : memref<!tpu.dma_semaphore, #tpu.memory_space<semaphore_mem>>)
    %add3A_790 = arith.constant 448 : i32
    %add3A_791 = arith.addi %add3A, %add3A_790 : i32
    %jit3A_792 = arith.constant 392 : i32
    %div3A_793 = arith.divsi %add3A_791, %jit3A_792 : i32
    %sign3A_794 = arith.constant 0 : i32
    %sign3A_795 = arith.cmpi sgt, %add3A_791, %sign3A_794 : i32
    %sign3A_796 = arith.extui %sign3A_795 : i1 to i32
    %sign3A_797 = arith.constant 0 : i32
    %sign3A_798 = arith.cmpi slt, %add3A_791, %sign3A_797 : i32
    %sign3A_799 = arith.extui %sign3A_798 : i1 to i32
    %sign3A_800 = arith.subi %sign3A_796, %sign3A_799 : i32
    %sign3A_801 = arith.constant 0 : i32
    %sign3A_802 = arith.cmpi sgt, %jit3A_792, %sign3A_801 : i32
    %sign3A_803 = arith.extui %sign3A_802 : i1 to i32
    %sign3A_804 = arith.constant 0 : i32
    %sign3A_805 = arith.cmpi slt, %jit3A_792, %sign3A_804 : i32
    %sign3A_806 = arith.extui %sign3A_805 : i1 to i32
    %sign3A_807 = arith.subi %sign3A_803, %sign3A_806 : i32
    %ne3A_808 = arith.cmpi ne, %sign3A_800, %sign3A_807 : i32
    %rem3A_809 = arith.remsi %add3A_791, %jit3A_792 : i32
    %ne3A_810 = arith.constant 0 : i32
    %ne3A_811 = arith.cmpi ne, %rem3A_809, %ne3A_810 : i32
    %and3A_812 = arith.andi %ne3A_808, %ne3A_811 : i1
    %sub3A_813 = arith.constant 1 : i32
    %sub3A_814 = arith.subi %div3A_793, %sub3A_813 : i32
    %select_n3A_815 = arith.select %and3A_812, %sub3A_814, %div3A_793 : i32
    %jit3A_816 = arith.constant 392 : i32
    %eq3A_817 = arith.constant 0 : i32
    %eq3A_818 = arith.cmpi eq, %jit3A_816, %eq3A_817 : i32
    %jit3A_819 = arith.constant 1 : i32
    %select_n3A_820 = arith.select %eq3A_818, %jit3A_819, %jit3A_816 : i32
    %rem3A_821 = arith.remsi %add3A_791, %select_n3A_820 : i32
    %ne3A_822 = arith.constant 0 : i32
    %ne3A_823 = arith.cmpi ne, %rem3A_821, %ne3A_822 : i32
    %lt3A_824 = arith.constant 0 : i32
    %lt3A_825 = arith.cmpi slt, %rem3A_821, %lt3A_824 : i32
    %lt3A_826 = arith.constant 0 : i32
    %lt3A_827 = arith.cmpi slt, %select_n3A_820, %lt3A_826 : i32
    %ne3A_828 = arith.xori %lt3A_825, %lt3A_827 : i1
    %and3A_829 = arith.andi %ne3A_828, %ne3A_823 : i1
    %add3A_830 = arith.addi %rem3A_821, %select_n3A_820 : i32
    %select_n3A_831 = arith.select %and3A_829, %add3A_830, %rem3A_821 : i32
    %dma_wait3A_832 = arith.constant 1 : i32
    %dma_wait3A_833 = tpu.memref_slice %arg2[%dma_wait3A_832, %multiple_of3A_723, %multiple_of3A_726] : memref<2x512x50176xf32, #tpu.memory_space<hbm>> -> memref<1x256x128xf32, #tpu.memory_space<hbm>>
    %dma_wait3A_834 = tpu.memref_squeeze %dma_wait3A_833 : memref<1x256x128xf32, #tpu.memory_space<hbm>> -> memref<256x128xf32, #tpu.memory_space<hbm>>
    %dma_wait3A_835 = tpu.memref_slice %arg2[%dma_wait3A_832, %multiple_of3A_723, %multiple_of3A_726] : memref<2x512x50176xf32, #tpu.memory_space<hbm>> -> memref<1x256x128xf32, #tpu.memory_space<hbm>>
    %dma_wait3A_836 = tpu.memref_squeeze %dma_wait3A_835 : memref<1x256x128xf32, #tpu.memory_space<hbm>> -> memref<256x128xf32, #tpu.memory_space<hbm>>
    tpu.wait_dma2 semaphore(%arg7 : memref<!tpu.dma_semaphore, #tpu.memory_space<semaphore_mem>>) src(%dma_wait3A_836 : memref<256x128xf32, #tpu.memory_space<hbm>>) dst(%arg4 : memref<256x128xf32, #tpu.memory_space<vmem>>)
    %mul3A_837 = arith.constant 256 : i32
    %mul3A_838 = arith.muli %select_n3A_815, %mul3A_837 : i32
    %multiple_of3A_839 = tpu.assume_multiple %mul3A_838, 256 : i32
    %mul3A_840 = arith.constant 128 : i32
    %mul3A_841 = arith.muli %select_n3A_831, %mul3A_840 : i32
    %multiple_of3A_842 = tpu.assume_multiple %mul3A_841, 128 : i32
    %dma_start3A_843 = arith.constant 1 : i32
    %dma_start3A_844 = tpu.memref_slice %arg2[%dma_start3A_843, %multiple_of3A_839, %multiple_of3A_842] : memref<2x512x50176xf32, #tpu.memory_space<hbm>> -> memref<1x256x128xf32, #tpu.memory_space<hbm>>
    %dma_start3A_845 = tpu.memref_squeeze %dma_start3A_844 : memref<1x256x128xf32, #tpu.memory_space<hbm>> -> memref<256x128xf32, #tpu.memory_space<hbm>>
    %dma_start3A_846 = tpu.memref_slice %arg2[%dma_start3A_843, %multiple_of3A_839, %multiple_of3A_842] : memref<2x512x50176xf32, #tpu.memory_space<hbm>> -> memref<1x256x128xf32, #tpu.memory_space<hbm>>
    %dma_start3A_847 = tpu.memref_squeeze %dma_start3A_846 : memref<1x256x128xf32, #tpu.memory_space<hbm>> -> memref<256x128xf32, #tpu.memory_space<hbm>>
    tpu.enqueue_dma source(%dma_start3A_847 : memref<256x128xf32, #tpu.memory_space<hbm>>) target(%arg4 : memref<256x128xf32, #tpu.memory_space<vmem>>) target_semaphore(%arg7 : memref<!tpu.dma_semaphore, #tpu.memory_space<semaphore_mem>>)
    %add3A_848 = arith.constant 480 : i32
    %add3A_849 = arith.addi %add3A, %add3A_848 : i32
    %jit3A_850 = arith.constant 392 : i32
    %div3A_851 = arith.divsi %add3A_849, %jit3A_850 : i32
    %sign3A_852 = arith.constant 0 : i32
    %sign3A_853 = arith.cmpi sgt, %add3A_849, %sign3A_852 : i32
    %sign3A_854 = arith.extui %sign3A_853 : i1 to i32
    %sign3A_855 = arith.constant 0 : i32
    %sign3A_856 = arith.cmpi slt, %add3A_849, %sign3A_855 : i32
    %sign3A_857 = arith.extui %sign3A_856 : i1 to i32
    %sign3A_858 = arith.subi %sign3A_854, %sign3A_857 : i32
    %sign3A_859 = arith.constant 0 : i32
    %sign3A_860 = arith.cmpi sgt, %jit3A_850, %sign3A_859 : i32
    %sign3A_861 = arith.extui %sign3A_860 : i1 to i32
    %sign3A_862 = arith.constant 0 : i32
    %sign3A_863 = arith.cmpi slt, %jit3A_850, %sign3A_862 : i32
    %sign3A_864 = arith.extui %sign3A_863 : i1 to i32
    %sign3A_865 = arith.subi %sign3A_861, %sign3A_864 : i32
    %ne3A_866 = arith.cmpi ne, %sign3A_858, %sign3A_865 : i32
    %rem3A_867 = arith.remsi %add3A_849, %jit3A_850 : i32
    %ne3A_868 = arith.constant 0 : i32
    %ne3A_869 = arith.cmpi ne, %rem3A_867, %ne3A_868 : i32
    %and3A_870 = arith.andi %ne3A_866, %ne3A_869 : i1
    %sub3A_871 = arith.constant 1 : i32
    %sub3A_872 = arith.subi %div3A_851, %sub3A_871 : i32
    %select_n3A_873 = arith.select %and3A_870, %sub3A_872, %div3A_851 : i32
    %jit3A_874 = arith.constant 392 : i32
    %eq3A_875 = arith.constant 0 : i32
    %eq3A_876 = arith.cmpi eq, %jit3A_874, %eq3A_875 : i32
    %jit3A_877 = arith.constant 1 : i32
    %select_n3A_878 = arith.select %eq3A_876, %jit3A_877, %jit3A_874 : i32
    %rem3A_879 = arith.remsi %add3A_849, %select_n3A_878 : i32
    %ne3A_880 = arith.constant 0 : i32
    %ne3A_881 = arith.cmpi ne, %rem3A_879, %ne3A_880 : i32
    %lt3A_882 = arith.constant 0 : i32
    %lt3A_883 = arith.cmpi slt, %rem3A_879, %lt3A_882 : i32
    %lt3A_884 = arith.constant 0 : i32
    %lt3A_885 = arith.cmpi slt, %select_n3A_878, %lt3A_884 : i32
    %ne3A_886 = arith.xori %lt3A_883, %lt3A_885 : i1
    %and3A_887 = arith.andi %ne3A_886, %ne3A_881 : i1
    %add3A_888 = arith.addi %rem3A_879, %select_n3A_878 : i32
    %select_n3A_889 = arith.select %and3A_887, %add3A_888, %rem3A_879 : i32
    %dma_wait3A_890 = arith.constant 1 : i32
    %dma_wait3A_891 = tpu.memref_slice %arg2[%dma_wait3A_890, %multiple_of3A_781, %multiple_of3A_784] : memref<2x512x50176xf32, #tpu.memory_space<hbm>> -> memref<1x256x128xf32, #tpu.memory_space<hbm>>
    %dma_wait3A_892 = tpu.memref_squeeze %dma_wait3A_891 : memref<1x256x128xf32, #tpu.memory_space<hbm>> -> memref<256x128xf32, #tpu.memory_space<hbm>>
    %dma_wait3A_893 = tpu.memref_slice %arg2[%dma_wait3A_890, %multiple_of3A_781, %multiple_of3A_784] : memref<2x512x50176xf32, #tpu.memory_space<hbm>> -> memref<1x256x128xf32, #tpu.memory_space<hbm>>
    %dma_wait3A_894 = tpu.memref_squeeze %dma_wait3A_893 : memref<1x256x128xf32, #tpu.memory_space<hbm>> -> memref<256x128xf32, #tpu.memory_space<hbm>>
    tpu.wait_dma2 semaphore(%arg8 : memref<!tpu.dma_semaphore, #tpu.memory_space<semaphore_mem>>) src(%dma_wait3A_894 : memref<256x128xf32, #tpu.memory_space<hbm>>) dst(%arg5 : memref<256x128xf32, #tpu.memory_space<vmem>>)
    %mul3A_895 = arith.constant 256 : i32
    %mul3A_896 = arith.muli %select_n3A_873, %mul3A_895 : i32
    %multiple_of3A_897 = tpu.assume_multiple %mul3A_896, 256 : i32
    %mul3A_898 = arith.constant 128 : i32
    %mul3A_899 = arith.muli %select_n3A_889, %mul3A_898 : i32
    %multiple_of3A_900 = tpu.assume_multiple %mul3A_899, 128 : i32
    %dma_start3A_901 = arith.constant 1 : i32
    %dma_start3A_902 = tpu.memref_slice %arg2[%dma_start3A_901, %multiple_of3A_897, %multiple_of3A_900] : memref<2x512x50176xf32, #tpu.memory_space<hbm>> -> memref<1x256x128xf32, #tpu.memory_space<hbm>>
    %dma_start3A_903 = tpu.memref_squeeze %dma_start3A_902 : memref<1x256x128xf32, #tpu.memory_space<hbm>> -> memref<256x128xf32, #tpu.memory_space<hbm>>
    %dma_start3A_904 = tpu.memref_slice %arg2[%dma_start3A_901, %multiple_of3A_897, %multiple_of3A_900] : memref<2x512x50176xf32, #tpu.memory_space<hbm>> -> memref<1x256x128xf32, #tpu.memory_space<hbm>>
    %dma_start3A_905 = tpu.memref_squeeze %dma_start3A_904 : memref<1x256x128xf32, #tpu.memory_space<hbm>> -> memref<256x128xf32, #tpu.memory_space<hbm>>
    tpu.enqueue_dma source(%dma_start3A_905 : memref<256x128xf32, #tpu.memory_space<hbm>>) target(%arg5 : memref<256x128xf32, #tpu.memory_space<vmem>>) target_semaphore(%arg8 : memref<!tpu.dma_semaphore, #tpu.memory_space<semaphore_mem>>)
    %add3A_906 = arith.constant 512 : i32
    %add3A_907 = arith.addi %add3A, %add3A_906 : i32
    %jit3A_908 = arith.constant 392 : i32
    %div3A_909 = arith.divsi %add3A_907, %jit3A_908 : i32
    %sign3A_910 = arith.constant 0 : i32
    %sign3A_911 = arith.cmpi sgt, %add3A_907, %sign3A_910 : i32
    %sign3A_912 = arith.extui %sign3A_911 : i1 to i32
    %sign3A_913 = arith.constant 0 : i32
    %sign3A_914 = arith.cmpi slt, %add3A_907, %sign3A_913 : i32
    %sign3A_915 = arith.extui %sign3A_914 : i1 to i32
    %sign3A_916 = arith.subi %sign3A_912, %sign3A_915 : i32
    %sign3A_917 = arith.constant 0 : i32
    %sign3A_918 = arith.cmpi sgt, %jit3A_908, %sign3A_917 : i32
    %sign3A_919 = arith.extui %sign3A_918 : i1 to i32
    %sign3A_920 = arith.constant 0 : i32
    %sign3A_921 = arith.cmpi slt, %jit3A_908, %sign3A_920 : i32
    %sign3A_922 = arith.extui %sign3A_921 : i1 to i32
    %sign3A_923 = arith.subi %sign3A_919, %sign3A_922 : i32
    %ne3A_924 = arith.cmpi ne, %sign3A_916, %sign3A_923 : i32
    %rem3A_925 = arith.remsi %add3A_907, %jit3A_908 : i32
    %ne3A_926 = arith.constant 0 : i32
    %ne3A_927 = arith.cmpi ne, %rem3A_925, %ne3A_926 : i32
    %and3A_928 = arith.andi %ne3A_924, %ne3A_927 : i1
    %sub3A_929 = arith.constant 1 : i32
    %sub3A_930 = arith.subi %div3A_909, %sub3A_929 : i32
    %select_n3A_931 = arith.select %and3A_928, %sub3A_930, %div3A_909 : i32
    %jit3A_932 = arith.constant 392 : i32
    %eq3A_933 = arith.constant 0 : i32
    %eq3A_934 = arith.cmpi eq, %jit3A_932, %eq3A_933 : i32
    %jit3A_935 = arith.constant 1 : i32
    %select_n3A_936 = arith.select %eq3A_934, %jit3A_935, %jit3A_932 : i32
    %rem3A_937 = arith.remsi %add3A_907, %select_n3A_936 : i32
    %ne3A_938 = arith.constant 0 : i32
    %ne3A_939 = arith.cmpi ne, %rem3A_937, %ne3A_938 : i32
    %lt3A_940 = arith.constant 0 : i32
    %lt3A_941 = arith.cmpi slt, %rem3A_937, %lt3A_940 : i32
    %lt3A_942 = arith.constant 0 : i32
    %lt3A_943 = arith.cmpi slt, %select_n3A_936, %lt3A_942 : i32
    %ne3A_944 = arith.xori %lt3A_941, %lt3A_943 : i1
    %and3A_945 = arith.andi %ne3A_944, %ne3A_939 : i1
    %add3A_946 = arith.addi %rem3A_937, %select_n3A_936 : i32
    %select_n3A_947 = arith.select %and3A_945, %add3A_946, %rem3A_937 : i32
    %dma_wait3A_948 = arith.constant 1 : i32
    %dma_wait3A_949 = tpu.memref_slice %arg2[%dma_wait3A_948, %multiple_of3A_839, %multiple_of3A_842] : memref<2x512x50176xf32, #tpu.memory_space<hbm>> -> memref<1x256x128xf32, #tpu.memory_space<hbm>>
    %dma_wait3A_950 = tpu.memref_squeeze %dma_wait3A_949 : memref<1x256x128xf32, #tpu.memory_space<hbm>> -> memref<256x128xf32, #tpu.memory_space<hbm>>
    %dma_wait3A_951 = tpu.memref_slice %arg2[%dma_wait3A_948, %multiple_of3A_839, %multiple_of3A_842] : memref<2x512x50176xf32, #tpu.memory_space<hbm>> -> memref<1x256x128xf32, #tpu.memory_space<hbm>>
    %dma_wait3A_952 = tpu.memref_squeeze %dma_wait3A_951 : memref<1x256x128xf32, #tpu.memory_space<hbm>> -> memref<256x128xf32, #tpu.memory_space<hbm>>
    tpu.wait_dma2 semaphore(%arg7 : memref<!tpu.dma_semaphore, #tpu.memory_space<semaphore_mem>>) src(%dma_wait3A_952 : memref<256x128xf32, #tpu.memory_space<hbm>>) dst(%arg4 : memref<256x128xf32, #tpu.memory_space<vmem>>)
    %mul3A_953 = arith.constant 256 : i32
    %mul3A_954 = arith.muli %select_n3A_931, %mul3A_953 : i32
    %multiple_of3A_955 = tpu.assume_multiple %mul3A_954, 256 : i32
    %mul3A_956 = arith.constant 128 : i32
    %mul3A_957 = arith.muli %select_n3A_947, %mul3A_956 : i32
    %multiple_of3A_958 = tpu.assume_multiple %mul3A_957, 128 : i32
    %dma_start3A_959 = arith.constant 1 : i32
    %dma_start3A_960 = tpu.memref_slice %arg2[%dma_start3A_959, %multiple_of3A_955, %multiple_of3A_958] : memref<2x512x50176xf32, #tpu.memory_space<hbm>> -> memref<1x256x128xf32, #tpu.memory_space<hbm>>
    %dma_start3A_961 = tpu.memref_squeeze %dma_start3A_960 : memref<1x256x128xf32, #tpu.memory_space<hbm>> -> memref<256x128xf32, #tpu.memory_space<hbm>>
    %dma_start3A_962 = tpu.memref_slice %arg2[%dma_start3A_959, %multiple_of3A_955, %multiple_of3A_958] : memref<2x512x50176xf32, #tpu.memory_space<hbm>> -> memref<1x256x128xf32, #tpu.memory_space<hbm>>
    %dma_start3A_963 = tpu.memref_squeeze %dma_start3A_962 : memref<1x256x128xf32, #tpu.memory_space<hbm>> -> memref<256x128xf32, #tpu.memory_space<hbm>>
    tpu.enqueue_dma source(%dma_start3A_963 : memref<256x128xf32, #tpu.memory_space<hbm>>) target(%arg4 : memref<256x128xf32, #tpu.memory_space<vmem>>) target_semaphore(%arg7 : memref<!tpu.dma_semaphore, #tpu.memory_space<semaphore_mem>>)
    %add3A_964 = arith.constant 544 : i32
    %add3A_965 = arith.addi %add3A, %add3A_964 : i32
    %jit3A_966 = arith.constant 392 : i32
    %div3A_967 = arith.divsi %add3A_965, %jit3A_966 : i32
    %sign3A_968 = arith.constant 0 : i32
    %sign3A_969 = arith.cmpi sgt, %add3A_965, %sign3A_968 : i32
    %sign3A_970 = arith.extui %sign3A_969 : i1 to i32
    %sign3A_971 = arith.constant 0 : i32
    %sign3A_972 = arith.cmpi slt, %add3A_965, %sign3A_971 : i32
    %sign3A_973 = arith.extui %sign3A_972 : i1 to i32
    %sign3A_974 = arith.subi %sign3A_970, %sign3A_973 : i32
    %sign3A_975 = arith.constant 0 : i32
    %sign3A_976 = arith.cmpi sgt, %jit3A_966, %sign3A_975 : i32
    %sign3A_977 = arith.extui %sign3A_976 : i1 to i32
    %sign3A_978 = arith.constant 0 : i32
    %sign3A_979 = arith.cmpi slt, %jit3A_966, %sign3A_978 : i32
    %sign3A_980 = arith.extui %sign3A_979 : i1 to i32
    %sign3A_981 = arith.subi %sign3A_977, %sign3A_980 : i32
    %ne3A_982 = arith.cmpi ne, %sign3A_974, %sign3A_981 : i32
    %rem3A_983 = arith.remsi %add3A_965, %jit3A_966 : i32
    %ne3A_984 = arith.constant 0 : i32
    %ne3A_985 = arith.cmpi ne, %rem3A_983, %ne3A_984 : i32
    %and3A_986 = arith.andi %ne3A_982, %ne3A_985 : i1
    %sub3A_987 = arith.constant 1 : i32
    %sub3A_988 = arith.subi %div3A_967, %sub3A_987 : i32
    %select_n3A_989 = arith.select %and3A_986, %sub3A_988, %div3A_967 : i32
    %jit3A_990 = arith.constant 392 : i32
    %eq3A_991 = arith.constant 0 : i32
    %eq3A_992 = arith.cmpi eq, %jit3A_990, %eq3A_991 : i32
    %jit3A_993 = arith.constant 1 : i32
    %select_n3A_994 = arith.select %eq3A_992, %jit3A_993, %jit3A_990 : i32
    %rem3A_995 = arith.remsi %add3A_965, %select_n3A_994 : i32
    %ne3A_996 = arith.constant 0 : i32
    %ne3A_997 = arith.cmpi ne, %rem3A_995, %ne3A_996 : i32
    %lt3A_998 = arith.constant 0 : i32
    %lt3A_999 = arith.cmpi slt, %rem3A_995, %lt3A_998 : i32
    %lt3A_1000 = arith.constant 0 : i32
    %lt3A_1001 = arith.cmpi slt, %select_n3A_994, %lt3A_1000 : i32
    %ne3A_1002 = arith.xori %lt3A_999, %lt3A_1001 : i1
    %and3A_1003 = arith.andi %ne3A_1002, %ne3A_997 : i1
    %add3A_1004 = arith.addi %rem3A_995, %select_n3A_994 : i32
    %select_n3A_1005 = arith.select %and3A_1003, %add3A_1004, %rem3A_995 : i32
    %dma_wait3A_1006 = arith.constant 1 : i32
    %dma_wait3A_1007 = tpu.memref_slice %arg2[%dma_wait3A_1006, %multiple_of3A_897, %multiple_of3A_900] : memref<2x512x50176xf32, #tpu.memory_space<hbm>> -> memref<1x256x128xf32, #tpu.memory_space<hbm>>
    %dma_wait3A_1008 = tpu.memref_squeeze %dma_wait3A_1007 : memref<1x256x128xf32, #tpu.memory_space<hbm>> -> memref<256x128xf32, #tpu.memory_space<hbm>>
    %dma_wait3A_1009 = tpu.memref_slice %arg2[%dma_wait3A_1006, %multiple_of3A_897, %multiple_of3A_900] : memref<2x512x50176xf32, #tpu.memory_space<hbm>> -> memref<1x256x128xf32, #tpu.memory_space<hbm>>
    %dma_wait3A_1010 = tpu.memref_squeeze %dma_wait3A_1009 : memref<1x256x128xf32, #tpu.memory_space<hbm>> -> memref<256x128xf32, #tpu.memory_space<hbm>>
    tpu.wait_dma2 semaphore(%arg8 : memref<!tpu.dma_semaphore, #tpu.memory_space<semaphore_mem>>) src(%dma_wait3A_1010 : memref<256x128xf32, #tpu.memory_space<hbm>>) dst(%arg5 : memref<256x128xf32, #tpu.memory_space<vmem>>)
    %mul3A_1011 = arith.constant 256 : i32
    %mul3A_1012 = arith.muli %select_n3A_989, %mul3A_1011 : i32
    %multiple_of3A_1013 = tpu.assume_multiple %mul3A_1012, 256 : i32
    %mul3A_1014 = arith.constant 128 : i32
    %mul3A_1015 = arith.muli %select_n3A_1005, %mul3A_1014 : i32
    %multiple_of3A_1016 = tpu.assume_multiple %mul3A_1015, 128 : i32
    %dma_start3A_1017 = arith.constant 1 : i32
    %dma_start3A_1018 = tpu.memref_slice %arg2[%dma_start3A_1017, %multiple_of3A_1013, %multiple_of3A_1016] : memref<2x512x50176xf32, #tpu.memory_space<hbm>> -> memref<1x256x128xf32, #tpu.memory_space<hbm>>
    %dma_start3A_1019 = tpu.memref_squeeze %dma_start3A_1018 : memref<1x256x128xf32, #tpu.memory_space<hbm>> -> memref<256x128xf32, #tpu.memory_space<hbm>>
    %dma_start3A_1020 = tpu.memref_slice %arg2[%dma_start3A_1017, %multiple_of3A_1013, %multiple_of3A_1016] : memref<2x512x50176xf32, #tpu.memory_space<hbm>> -> memref<1x256x128xf32, #tpu.memory_space<hbm>>
    %dma_start3A_1021 = tpu.memref_squeeze %dma_start3A_1020 : memref<1x256x128xf32, #tpu.memory_space<hbm>> -> memref<256x128xf32, #tpu.memory_space<hbm>>
    tpu.enqueue_dma source(%dma_start3A_1021 : memref<256x128xf32, #tpu.memory_space<hbm>>) target(%arg5 : memref<256x128xf32, #tpu.memory_space<vmem>>) target_semaphore(%arg8 : memref<!tpu.dma_semaphore, #tpu.memory_space<semaphore_mem>>)
    %add3A_1022 = arith.constant 576 : i32
    %add3A_1023 = arith.addi %add3A, %add3A_1022 : i32
    %jit3A_1024 = arith.constant 392 : i32
    %div3A_1025 = arith.divsi %add3A_1023, %jit3A_1024 : i32
    %sign3A_1026 = arith.constant 0 : i32
    %sign3A_1027 = arith.cmpi sgt, %add3A_1023, %sign3A_1026 : i32
    %sign3A_1028 = arith.extui %sign3A_1027 : i1 to i32
    %sign3A_1029 = arith.constant 0 : i32
    %sign3A_1030 = arith.cmpi slt, %add3A_1023, %sign3A_1029 : i32
    %sign3A_1031 = arith.extui %sign3A_1030 : i1 to i32
    %sign3A_1032 = arith.subi %sign3A_1028, %sign3A_1031 : i32
    %sign3A_1033 = arith.constant 0 : i32
    %sign3A_1034 = arith.cmpi sgt, %jit3A_1024, %sign3A_1033 : i32
    %sign3A_1035 = arith.extui %sign3A_1034 : i1 to i32
    %sign3A_1036 = arith.constant 0 : i32
    %sign3A_1037 = arith.cmpi slt, %jit3A_1024, %sign3A_1036 : i32
    %sign3A_1038 = arith.extui %sign3A_1037 : i1 to i32
    %sign3A_1039 = arith.subi %sign3A_1035, %sign3A_1038 : i32
    %ne3A_1040 = arith.cmpi ne, %sign3A_1032, %sign3A_1039 : i32
    %rem3A_1041 = arith.remsi %add3A_1023, %jit3A_1024 : i32
    %ne3A_1042 = arith.constant 0 : i32
    %ne3A_1043 = arith.cmpi ne, %rem3A_1041, %ne3A_1042 : i32
    %and3A_1044 = arith.andi %ne3A_1040, %ne3A_1043 : i1
    %sub3A_1045 = arith.constant 1 : i32
    %sub3A_1046 = arith.subi %div3A_1025, %sub3A_1045 : i32
    %select_n3A_1047 = arith.select %and3A_1044, %sub3A_1046, %div3A_1025 : i32
    %jit3A_1048 = arith.constant 392 : i32
    %eq3A_1049 = arith.constant 0 : i32
    %eq3A_1050 = arith.cmpi eq, %jit3A_1048, %eq3A_1049 : i32
    %jit3A_1051 = arith.constant 1 : i32
    %select_n3A_1052 = arith.select %eq3A_1050, %jit3A_1051, %jit3A_1048 : i32
    %rem3A_1053 = arith.remsi %add3A_1023, %select_n3A_1052 : i32
    %ne3A_1054 = arith.constant 0 : i32
    %ne3A_1055 = arith.cmpi ne, %rem3A_1053, %ne3A_1054 : i32
    %lt3A_1056 = arith.constant 0 : i32
    %lt3A_1057 = arith.cmpi slt, %rem3A_1053, %lt3A_1056 : i32
    %lt3A_1058 = arith.constant 0 : i32
    %lt3A_1059 = arith.cmpi slt, %select_n3A_1052, %lt3A_1058 : i32
    %ne3A_1060 = arith.xori %lt3A_1057, %lt3A_1059 : i1
    %and3A_1061 = arith.andi %ne3A_1060, %ne3A_1055 : i1
    %add3A_1062 = arith.addi %rem3A_1053, %select_n3A_1052 : i32
    %select_n3A_1063 = arith.select %and3A_1061, %add3A_1062, %rem3A_1053 : i32
    %dma_wait3A_1064 = arith.constant 1 : i32
    %dma_wait3A_1065 = tpu.memref_slice %arg2[%dma_wait3A_1064, %multiple_of3A_955, %multiple_of3A_958] : memref<2x512x50176xf32, #tpu.memory_space<hbm>> -> memref<1x256x128xf32, #tpu.memory_space<hbm>>
    %dma_wait3A_1066 = tpu.memref_squeeze %dma_wait3A_1065 : memref<1x256x128xf32, #tpu.memory_space<hbm>> -> memref<256x128xf32, #tpu.memory_space<hbm>>
    %dma_wait3A_1067 = tpu.memref_slice %arg2[%dma_wait3A_1064, %multiple_of3A_955, %multiple_of3A_958] : memref<2x512x50176xf32, #tpu.memory_space<hbm>> -> memref<1x256x128xf32, #tpu.memory_space<hbm>>
    %dma_wait3A_1068 = tpu.memref_squeeze %dma_wait3A_1067 : memref<1x256x128xf32, #tpu.memory_space<hbm>> -> memref<256x128xf32, #tpu.memory_space<hbm>>
    tpu.wait_dma2 semaphore(%arg7 : memref<!tpu.dma_semaphore, #tpu.memory_space<semaphore_mem>>) src(%dma_wait3A_1068 : memref<256x128xf32, #tpu.memory_space<hbm>>) dst(%arg4 : memref<256x128xf32, #tpu.memory_space<vmem>>)
    %mul3A_1069 = arith.constant 256 : i32
    %mul3A_1070 = arith.muli %select_n3A_1047, %mul3A_1069 : i32
    %multiple_of3A_1071 = tpu.assume_multiple %mul3A_1070, 256 : i32
    %mul3A_1072 = arith.constant 128 : i32
    %mul3A_1073 = arith.muli %select_n3A_1063, %mul3A_1072 : i32
    %multiple_of3A_1074 = tpu.assume_multiple %mul3A_1073, 128 : i32
    %dma_start3A_1075 = arith.constant 1 : i32
    %dma_start3A_1076 = tpu.memref_slice %arg2[%dma_start3A_1075, %multiple_of3A_1071, %multiple_of3A_1074] : memref<2x512x50176xf32, #tpu.memory_space<hbm>> -> memref<1x256x128xf32, #tpu.memory_space<hbm>>
    %dma_start3A_1077 = tpu.memref_squeeze %dma_start3A_1076 : memref<1x256x128xf32, #tpu.memory_space<hbm>> -> memref<256x128xf32, #tpu.memory_space<hbm>>
    %dma_start3A_1078 = tpu.memref_slice %arg2[%dma_start3A_1075, %multiple_of3A_1071, %multiple_of3A_1074] : memref<2x512x50176xf32, #tpu.memory_space<hbm>> -> memref<1x256x128xf32, #tpu.memory_space<hbm>>
    %dma_start3A_1079 = tpu.memref_squeeze %dma_start3A_1078 : memref<1x256x128xf32, #tpu.memory_space<hbm>> -> memref<256x128xf32, #tpu.memory_space<hbm>>
    tpu.enqueue_dma source(%dma_start3A_1079 : memref<256x128xf32, #tpu.memory_space<hbm>>) target(%arg4 : memref<256x128xf32, #tpu.memory_space<vmem>>) target_semaphore(%arg7 : memref<!tpu.dma_semaphore, #tpu.memory_space<semaphore_mem>>)
    %add3A_1080 = arith.constant 608 : i32
    %add3A_1081 = arith.addi %add3A, %add3A_1080 : i32
    %jit3A_1082 = arith.constant 392 : i32
    %div3A_1083 = arith.divsi %add3A_1081, %jit3A_1082 : i32
    %sign3A_1084 = arith.constant 0 : i32
    %sign3A_1085 = arith.cmpi sgt, %add3A_1081, %sign3A_1084 : i32
    %sign3A_1086 = arith.extui %sign3A_1085 : i1 to i32
    %sign3A_1087 = arith.constant 0 : i32
    %sign3A_1088 = arith.cmpi slt, %add3A_1081, %sign3A_1087 : i32
    %sign3A_1089 = arith.extui %sign3A_1088 : i1 to i32
    %sign3A_1090 = arith.subi %sign3A_1086, %sign3A_1089 : i32
    %sign3A_1091 = arith.constant 0 : i32
    %sign3A_1092 = arith.cmpi sgt, %jit3A_1082, %sign3A_1091 : i32
    %sign3A_1093 = arith.extui %sign3A_1092 : i1 to i32
    %sign3A_1094 = arith.constant 0 : i32
    %sign3A_1095 = arith.cmpi slt, %jit3A_1082, %sign3A_1094 : i32
    %sign3A_1096 = arith.extui %sign3A_1095 : i1 to i32
    %sign3A_1097 = arith.subi %sign3A_1093, %sign3A_1096 : i32
    %ne3A_1098 = arith.cmpi ne, %sign3A_1090, %sign3A_1097 : i32
    %rem3A_1099 = arith.remsi %add3A_1081, %jit3A_1082 : i32
    %ne3A_1100 = arith.constant 0 : i32
    %ne3A_1101 = arith.cmpi ne, %rem3A_1099, %ne3A_1100 : i32
    %and3A_1102 = arith.andi %ne3A_1098, %ne3A_1101 : i1
    %sub3A_1103 = arith.constant 1 : i32
    %sub3A_1104 = arith.subi %div3A_1083, %sub3A_1103 : i32
    %select_n3A_1105 = arith.select %and3A_1102, %sub3A_1104, %div3A_1083 : i32
    %jit3A_1106 = arith.constant 392 : i32
    %eq3A_1107 = arith.constant 0 : i32
    %eq3A_1108 = arith.cmpi eq, %jit3A_1106, %eq3A_1107 : i32
    %jit3A_1109 = arith.constant 1 : i32
    %select_n3A_1110 = arith.select %eq3A_1108, %jit3A_1109, %jit3A_1106 : i32
    %rem3A_1111 = arith.remsi %add3A_1081, %select_n3A_1110 : i32
    %ne3A_1112 = arith.constant 0 : i32
    %ne3A_1113 = arith.cmpi ne, %rem3A_1111, %ne3A_1112 : i32
    %lt3A_1114 = arith.constant 0 : i32
    %lt3A_1115 = arith.cmpi slt, %rem3A_1111, %lt3A_1114 : i32
    %lt3A_1116 = arith.constant 0 : i32
    %lt3A_1117 = arith.cmpi slt, %select_n3A_1110, %lt3A_1116 : i32
    %ne3A_1118 = arith.xori %lt3A_1115, %lt3A_1117 : i1
    %and3A_1119 = arith.andi %ne3A_1118, %ne3A_1113 : i1
    %add3A_1120 = arith.addi %rem3A_1111, %select_n3A_1110 : i32
    %select_n3A_1121 = arith.select %and3A_1119, %add3A_1120, %rem3A_1111 : i32
    %dma_wait3A_1122 = arith.constant 1 : i32
    %dma_wait3A_1123 = tpu.memref_slice %arg2[%dma_wait3A_1122, %multiple_of3A_1013, %multiple_of3A_1016] : memref<2x512x50176xf32, #tpu.memory_space<hbm>> -> memref<1x256x128xf32, #tpu.memory_space<hbm>>
    %dma_wait3A_1124 = tpu.memref_squeeze %dma_wait3A_1123 : memref<1x256x128xf32, #tpu.memory_space<hbm>> -> memref<256x128xf32, #tpu.memory_space<hbm>>
    %dma_wait3A_1125 = tpu.memref_slice %arg2[%dma_wait3A_1122, %multiple_of3A_1013, %multiple_of3A_1016] : memref<2x512x50176xf32, #tpu.memory_space<hbm>> -> memref<1x256x128xf32, #tpu.memory_space<hbm>>
    %dma_wait3A_1126 = tpu.memref_squeeze %dma_wait3A_1125 : memref<1x256x128xf32, #tpu.memory_space<hbm>> -> memref<256x128xf32, #tpu.memory_space<hbm>>
    tpu.wait_dma2 semaphore(%arg8 : memref<!tpu.dma_semaphore, #tpu.memory_space<semaphore_mem>>) src(%dma_wait3A_1126 : memref<256x128xf32, #tpu.memory_space<hbm>>) dst(%arg5 : memref<256x128xf32, #tpu.memory_space<vmem>>)
    %mul3A_1127 = arith.constant 256 : i32
    %mul3A_1128 = arith.muli %select_n3A_1105, %mul3A_1127 : i32
    %multiple_of3A_1129 = tpu.assume_multiple %mul3A_1128, 256 : i32
    %mul3A_1130 = arith.constant 128 : i32
    %mul3A_1131 = arith.muli %select_n3A_1121, %mul3A_1130 : i32
    %multiple_of3A_1132 = tpu.assume_multiple %mul3A_1131, 128 : i32
    %dma_start3A_1133 = arith.constant 1 : i32
    %dma_start3A_1134 = tpu.memref_slice %arg2[%dma_start3A_1133, %multiple_of3A_1129, %multiple_of3A_1132] : memref<2x512x50176xf32, #tpu.memory_space<hbm>> -> memref<1x256x128xf32, #tpu.memory_space<hbm>>
    %dma_start3A_1135 = tpu.memref_squeeze %dma_start3A_1134 : memref<1x256x128xf32, #tpu.memory_space<hbm>> -> memref<256x128xf32, #tpu.memory_space<hbm>>
    %dma_start3A_1136 = tpu.memref_slice %arg2[%dma_start3A_1133, %multiple_of3A_1129, %multiple_of3A_1132] : memref<2x512x50176xf32, #tpu.memory_space<hbm>> -> memref<1x256x128xf32, #tpu.memory_space<hbm>>
    %dma_start3A_1137 = tpu.memref_squeeze %dma_start3A_1136 : memref<1x256x128xf32, #tpu.memory_space<hbm>> -> memref<256x128xf32, #tpu.memory_space<hbm>>
    tpu.enqueue_dma source(%dma_start3A_1137 : memref<256x128xf32, #tpu.memory_space<hbm>>) target(%arg5 : memref<256x128xf32, #tpu.memory_space<vmem>>) target_semaphore(%arg8 : memref<!tpu.dma_semaphore, #tpu.memory_space<semaphore_mem>>)
    %add3A_1138 = arith.constant 640 : i32
    %add3A_1139 = arith.addi %add3A, %add3A_1138 : i32
    %jit3A_1140 = arith.constant 392 : i32
    %div3A_1141 = arith.divsi %add3A_1139, %jit3A_1140 : i32
    %sign3A_1142 = arith.constant 0 : i32
    %sign3A_1143 = arith.cmpi sgt, %add3A_1139, %sign3A_1142 : i32
    %sign3A_1144 = arith.extui %sign3A_1143 : i1 to i32
    %sign3A_1145 = arith.constant 0 : i32
    %sign3A_1146 = arith.cmpi slt, %add3A_1139, %sign3A_1145 : i32
    %sign3A_1147 = arith.extui %sign3A_1146 : i1 to i32
    %sign3A_1148 = arith.subi %sign3A_1144, %sign3A_1147 : i32
    %sign3A_1149 = arith.constant 0 : i32
    %sign3A_1150 = arith.cmpi sgt, %jit3A_1140, %sign3A_1149 : i32
    %sign3A_1151 = arith.extui %sign3A_1150 : i1 to i32
    %sign3A_1152 = arith.constant 0 : i32
    %sign3A_1153 = arith.cmpi slt, %jit3A_1140, %sign3A_1152 : i32
    %sign3A_1154 = arith.extui %sign3A_1153 : i1 to i32
    %sign3A_1155 = arith.subi %sign3A_1151, %sign3A_1154 : i32
    %ne3A_1156 = arith.cmpi ne, %sign3A_1148, %sign3A_1155 : i32
    %rem3A_1157 = arith.remsi %add3A_1139, %jit3A_1140 : i32
    %ne3A_1158 = arith.constant 0 : i32
    %ne3A_1159 = arith.cmpi ne, %rem3A_1157, %ne3A_1158 : i32
    %and3A_1160 = arith.andi %ne3A_1156, %ne3A_1159 : i1
    %sub3A_1161 = arith.constant 1 : i32
    %sub3A_1162 = arith.subi %div3A_1141, %sub3A_1161 : i32
    %select_n3A_1163 = arith.select %and3A_1160, %sub3A_1162, %div3A_1141 : i32
    %jit3A_1164 = arith.constant 392 : i32
    %eq3A_1165 = arith.constant 0 : i32
    %eq3A_1166 = arith.cmpi eq, %jit3A_1164, %eq3A_1165 : i32
    %jit3A_1167 = arith.constant 1 : i32
    %select_n3A_1168 = arith.select %eq3A_1166, %jit3A_1167, %jit3A_1164 : i32
    %rem3A_1169 = arith.remsi %add3A_1139, %select_n3A_1168 : i32
    %ne3A_1170 = arith.constant 0 : i32
    %ne3A_1171 = arith.cmpi ne, %rem3A_1169, %ne3A_1170 : i32
    %lt3A_1172 = arith.constant 0 : i32
    %lt3A_1173 = arith.cmpi slt, %rem3A_1169, %lt3A_1172 : i32
    %lt3A_1174 = arith.constant 0 : i32
    %lt3A_1175 = arith.cmpi slt, %select_n3A_1168, %lt3A_1174 : i32
    %ne3A_1176 = arith.xori %lt3A_1173, %lt3A_1175 : i1
    %and3A_1177 = arith.andi %ne3A_1176, %ne3A_1171 : i1
    %add3A_1178 = arith.addi %rem3A_1169, %select_n3A_1168 : i32
    %select_n3A_1179 = arith.select %and3A_1177, %add3A_1178, %rem3A_1169 : i32
    %dma_wait3A_1180 = arith.constant 1 : i32
    %dma_wait3A_1181 = tpu.memref_slice %arg2[%dma_wait3A_1180, %multiple_of3A_1071, %multiple_of3A_1074] : memref<2x512x50176xf32, #tpu.memory_space<hbm>> -> memref<1x256x128xf32, #tpu.memory_space<hbm>>
    %dma_wait3A_1182 = tpu.memref_squeeze %dma_wait3A_1181 : memref<1x256x128xf32, #tpu.memory_space<hbm>> -> memref<256x128xf32, #tpu.memory_space<hbm>>
    %dma_wait3A_1183 = tpu.memref_slice %arg2[%dma_wait3A_1180, %multiple_of3A_1071, %multiple_of3A_1074] : memref<2x512x50176xf32, #tpu.memory_space<hbm>> -> memref<1x256x128xf32, #tpu.memory_space<hbm>>
    %dma_wait3A_1184 = tpu.memref_squeeze %dma_wait3A_1183 : memref<1x256x128xf32, #tpu.memory_space<hbm>> -> memref<256x128xf32, #tpu.memory_space<hbm>>
    tpu.wait_dma2 semaphore(%arg7 : memref<!tpu.dma_semaphore, #tpu.memory_space<semaphore_mem>>) src(%dma_wait3A_1184 : memref<256x128xf32, #tpu.memory_space<hbm>>) dst(%arg4 : memref<256x128xf32, #tpu.memory_space<vmem>>)
    %mul3A_1185 = arith.constant 256 : i32
    %mul3A_1186 = arith.muli %select_n3A_1163, %mul3A_1185 : i32
    %multiple_of3A_1187 = tpu.assume_multiple %mul3A_1186, 256 : i32
    %mul3A_1188 = arith.constant 128 : i32
    %mul3A_1189 = arith.muli %select_n3A_1179, %mul3A_1188 : i32
    %multiple_of3A_1190 = tpu.assume_multiple %mul3A_1189, 128 : i32
    %dma_start3A_1191 = arith.constant 1 : i32
    %dma_start3A_1192 = tpu.memref_slice %arg2[%dma_start3A_1191, %multiple_of3A_1187, %multiple_of3A_1190] : memref<2x512x50176xf32, #tpu.memory_space<hbm>> -> memref<1x256x128xf32, #tpu.memory_space<hbm>>
    %dma_start3A_1193 = tpu.memref_squeeze %dma_start3A_1192 : memref<1x256x128xf32, #tpu.memory_space<hbm>> -> memref<256x128xf32, #tpu.memory_space<hbm>>
    %dma_start3A_1194 = tpu.memref_slice %arg2[%dma_start3A_1191, %multiple_of3A_1187, %multiple_of3A_1190] : memref<2x512x50176xf32, #tpu.memory_space<hbm>> -> memref<1x256x128xf32, #tpu.memory_space<hbm>>
    %dma_start3A_1195 = tpu.memref_squeeze %dma_start3A_1194 : memref<1x256x128xf32, #tpu.memory_space<hbm>> -> memref<256x128xf32, #tpu.memory_space<hbm>>
    tpu.enqueue_dma source(%dma_start3A_1195 : memref<256x128xf32, #tpu.memory_space<hbm>>) target(%arg4 : memref<256x128xf32, #tpu.memory_space<vmem>>) target_semaphore(%arg7 : memref<!tpu.dma_semaphore, #tpu.memory_space<semaphore_mem>>)
    %add3A_1196 = arith.constant 672 : i32
    %add3A_1197 = arith.addi %add3A, %add3A_1196 : i32
    %jit3A_1198 = arith.constant 392 : i32
    %div3A_1199 = arith.divsi %add3A_1197, %jit3A_1198 : i32
    %sign3A_1200 = arith.constant 0 : i32
    %sign3A_1201 = arith.cmpi sgt, %add3A_1197, %sign3A_1200 : i32
    %sign3A_1202 = arith.extui %sign3A_1201 : i1 to i32
    %sign3A_1203 = arith.constant 0 : i32
    %sign3A_1204 = arith.cmpi slt, %add3A_1197, %sign3A_1203 : i32
    %sign3A_1205 = arith.extui %sign3A_1204 : i1 to i32
    %sign3A_1206 = arith.subi %sign3A_1202, %sign3A_1205 : i32
    %sign3A_1207 = arith.constant 0 : i32
    %sign3A_1208 = arith.cmpi sgt, %jit3A_1198, %sign3A_1207 : i32
    %sign3A_1209 = arith.extui %sign3A_1208 : i1 to i32
    %sign3A_1210 = arith.constant 0 : i32
    %sign3A_1211 = arith.cmpi slt, %jit3A_1198, %sign3A_1210 : i32
    %sign3A_1212 = arith.extui %sign3A_1211 : i1 to i32
    %sign3A_1213 = arith.subi %sign3A_1209, %sign3A_1212 : i32
    %ne3A_1214 = arith.cmpi ne, %sign3A_1206, %sign3A_1213 : i32
    %rem3A_1215 = arith.remsi %add3A_1197, %jit3A_1198 : i32
    %ne3A_1216 = arith.constant 0 : i32
    %ne3A_1217 = arith.cmpi ne, %rem3A_1215, %ne3A_1216 : i32
    %and3A_1218 = arith.andi %ne3A_1214, %ne3A_1217 : i1
    %sub3A_1219 = arith.constant 1 : i32
    %sub3A_1220 = arith.subi %div3A_1199, %sub3A_1219 : i32
    %select_n3A_1221 = arith.select %and3A_1218, %sub3A_1220, %div3A_1199 : i32
    %jit3A_1222 = arith.constant 392 : i32
    %eq3A_1223 = arith.constant 0 : i32
    %eq3A_1224 = arith.cmpi eq, %jit3A_1222, %eq3A_1223 : i32
    %jit3A_1225 = arith.constant 1 : i32
    %select_n3A_1226 = arith.select %eq3A_1224, %jit3A_1225, %jit3A_1222 : i32
    %rem3A_1227 = arith.remsi %add3A_1197, %select_n3A_1226 : i32
    %ne3A_1228 = arith.constant 0 : i32
    %ne3A_1229 = arith.cmpi ne, %rem3A_1227, %ne3A_1228 : i32
    %lt3A_1230 = arith.constant 0 : i32
    %lt3A_1231 = arith.cmpi slt, %rem3A_1227, %lt3A_1230 : i32
    %lt3A_1232 = arith.constant 0 : i32
    %lt3A_1233 = arith.cmpi slt, %select_n3A_1226, %lt3A_1232 : i32
    %ne3A_1234 = arith.xori %lt3A_1231, %lt3A_1233 : i1
    %and3A_1235 = arith.andi %ne3A_1234, %ne3A_1229 : i1
    %add3A_1236 = arith.addi %rem3A_1227, %select_n3A_1226 : i32
    %select_n3A_1237 = arith.select %and3A_1235, %add3A_1236, %rem3A_1227 : i32
    %dma_wait3A_1238 = arith.constant 1 : i32
    %dma_wait3A_1239 = tpu.memref_slice %arg2[%dma_wait3A_1238, %multiple_of3A_1129, %multiple_of3A_1132] : memref<2x512x50176xf32, #tpu.memory_space<hbm>> -> memref<1x256x128xf32, #tpu.memory_space<hbm>>
    %dma_wait3A_1240 = tpu.memref_squeeze %dma_wait3A_1239 : memref<1x256x128xf32, #tpu.memory_space<hbm>> -> memref<256x128xf32, #tpu.memory_space<hbm>>
    %dma_wait3A_1241 = tpu.memref_slice %arg2[%dma_wait3A_1238, %multiple_of3A_1129, %multiple_of3A_1132] : memref<2x512x50176xf32, #tpu.memory_space<hbm>> -> memref<1x256x128xf32, #tpu.memory_space<hbm>>
    %dma_wait3A_1242 = tpu.memref_squeeze %dma_wait3A_1241 : memref<1x256x128xf32, #tpu.memory_space<hbm>> -> memref<256x128xf32, #tpu.memory_space<hbm>>
    tpu.wait_dma2 semaphore(%arg8 : memref<!tpu.dma_semaphore, #tpu.memory_space<semaphore_mem>>) src(%dma_wait3A_1242 : memref<256x128xf32, #tpu.memory_space<hbm>>) dst(%arg5 : memref<256x128xf32, #tpu.memory_space<vmem>>)
    %mul3A_1243 = arith.constant 256 : i32
    %mul3A_1244 = arith.muli %select_n3A_1221, %mul3A_1243 : i32
    %multiple_of3A_1245 = tpu.assume_multiple %mul3A_1244, 256 : i32
    %mul3A_1246 = arith.constant 128 : i32
    %mul3A_1247 = arith.muli %select_n3A_1237, %mul3A_1246 : i32
    %multiple_of3A_1248 = tpu.assume_multiple %mul3A_1247, 128 : i32
    %dma_start3A_1249 = arith.constant 1 : i32
    %dma_start3A_1250 = tpu.memref_slice %arg2[%dma_start3A_1249, %multiple_of3A_1245, %multiple_of3A_1248] : memref<2x512x50176xf32, #tpu.memory_space<hbm>> -> memref<1x256x128xf32, #tpu.memory_space<hbm>>
    %dma_start3A_1251 = tpu.memref_squeeze %dma_start3A_1250 : memref<1x256x128xf32, #tpu.memory_space<hbm>> -> memref<256x128xf32, #tpu.memory_space<hbm>>
    %dma_start3A_1252 = tpu.memref_slice %arg2[%dma_start3A_1249, %multiple_of3A_1245, %multiple_of3A_1248] : memref<2x512x50176xf32, #tpu.memory_space<hbm>> -> memref<1x256x128xf32, #tpu.memory_space<hbm>>
    %dma_start3A_1253 = tpu.memref_squeeze %dma_start3A_1252 : memref<1x256x128xf32, #tpu.memory_space<hbm>> -> memref<256x128xf32, #tpu.memory_space<hbm>>
    tpu.enqueue_dma source(%dma_start3A_1253 : memref<256x128xf32, #tpu.memory_space<hbm>>) target(%arg5 : memref<256x128xf32, #tpu.memory_space<vmem>>) target_semaphore(%arg8 : memref<!tpu.dma_semaphore, #tpu.memory_space<semaphore_mem>>)
    %add3A_1254 = arith.constant 704 : i32
    %add3A_1255 = arith.addi %add3A, %add3A_1254 : i32
    %jit3A_1256 = arith.constant 392 : i32
    %div3A_1257 = arith.divsi %add3A_1255, %jit3A_1256 : i32
    %sign3A_1258 = arith.constant 0 : i32
    %sign3A_1259 = arith.cmpi sgt, %add3A_1255, %sign3A_1258 : i32
    %sign3A_1260 = arith.extui %sign3A_1259 : i1 to i32
    %sign3A_1261 = arith.constant 0 : i32
    %sign3A_1262 = arith.cmpi slt, %add3A_1255, %sign3A_1261 : i32
    %sign3A_1263 = arith.extui %sign3A_1262 : i1 to i32
    %sign3A_1264 = arith.subi %sign3A_1260, %sign3A_1263 : i32
    %sign3A_1265 = arith.constant 0 : i32
    %sign3A_1266 = arith.cmpi sgt, %jit3A_1256, %sign3A_1265 : i32
    %sign3A_1267 = arith.extui %sign3A_1266 : i1 to i32
    %sign3A_1268 = arith.constant 0 : i32
    %sign3A_1269 = arith.cmpi slt, %jit3A_1256, %sign3A_1268 : i32
    %sign3A_1270 = arith.extui %sign3A_1269 : i1 to i32
    %sign3A_1271 = arith.subi %sign3A_1267, %sign3A_1270 : i32
    %ne3A_1272 = arith.cmpi ne, %sign3A_1264, %sign3A_1271 : i32
    %rem3A_1273 = arith.remsi %add3A_1255, %jit3A_1256 : i32
    %ne3A_1274 = arith.constant 0 : i32
    %ne3A_1275 = arith.cmpi ne, %rem3A_1273, %ne3A_1274 : i32
    %and3A_1276 = arith.andi %ne3A_1272, %ne3A_1275 : i1
    %sub3A_1277 = arith.constant 1 : i32
    %sub3A_1278 = arith.subi %div3A_1257, %sub3A_1277 : i32
    %select_n3A_1279 = arith.select %and3A_1276, %sub3A_1278, %div3A_1257 : i32
    %jit3A_1280 = arith.constant 392 : i32
    %eq3A_1281 = arith.constant 0 : i32
    %eq3A_1282 = arith.cmpi eq, %jit3A_1280, %eq3A_1281 : i32
    %jit3A_1283 = arith.constant 1 : i32
    %select_n3A_1284 = arith.select %eq3A_1282, %jit3A_1283, %jit3A_1280 : i32
    %rem3A_1285 = arith.remsi %add3A_1255, %select_n3A_1284 : i32
    %ne3A_1286 = arith.constant 0 : i32
    %ne3A_1287 = arith.cmpi ne, %rem3A_1285, %ne3A_1286 : i32
    %lt3A_1288 = arith.constant 0 : i32
    %lt3A_1289 = arith.cmpi slt, %rem3A_1285, %lt3A_1288 : i32
    %lt3A_1290 = arith.constant 0 : i32
    %lt3A_1291 = arith.cmpi slt, %select_n3A_1284, %lt3A_1290 : i32
    %ne3A_1292 = arith.xori %lt3A_1289, %lt3A_1291 : i1
    %and3A_1293 = arith.andi %ne3A_1292, %ne3A_1287 : i1
    %add3A_1294 = arith.addi %rem3A_1285, %select_n3A_1284 : i32
    %select_n3A_1295 = arith.select %and3A_1293, %add3A_1294, %rem3A_1285 : i32
    %dma_wait3A_1296 = arith.constant 1 : i32
    %dma_wait3A_1297 = tpu.memref_slice %arg2[%dma_wait3A_1296, %multiple_of3A_1187, %multiple_of3A_1190] : memref<2x512x50176xf32, #tpu.memory_space<hbm>> -> memref<1x256x128xf32, #tpu.memory_space<hbm>>
    %dma_wait3A_1298 = tpu.memref_squeeze %dma_wait3A_1297 : memref<1x256x128xf32, #tpu.memory_space<hbm>> -> memref<256x128xf32, #tpu.memory_space<hbm>>
    %dma_wait3A_1299 = tpu.memref_slice %arg2[%dma_wait3A_1296, %multiple_of3A_1187, %multiple_of3A_1190] : memref<2x512x50176xf32, #tpu.memory_space<hbm>> -> memref<1x256x128xf32, #tpu.memory_space<hbm>>
    %dma_wait3A_1300 = tpu.memref_squeeze %dma_wait3A_1299 : memref<1x256x128xf32, #tpu.memory_space<hbm>> -> memref<256x128xf32, #tpu.memory_space<hbm>>
    tpu.wait_dma2 semaphore(%arg7 : memref<!tpu.dma_semaphore, #tpu.memory_space<semaphore_mem>>) src(%dma_wait3A_1300 : memref<256x128xf32, #tpu.memory_space<hbm>>) dst(%arg4 : memref<256x128xf32, #tpu.memory_space<vmem>>)
    %mul3A_1301 = arith.constant 256 : i32
    %mul3A_1302 = arith.muli %select_n3A_1279, %mul3A_1301 : i32
    %multiple_of3A_1303 = tpu.assume_multiple %mul3A_1302, 256 : i32
    %mul3A_1304 = arith.constant 128 : i32
    %mul3A_1305 = arith.muli %select_n3A_1295, %mul3A_1304 : i32
    %multiple_of3A_1306 = tpu.assume_multiple %mul3A_1305, 128 : i32
    %dma_start3A_1307 = arith.constant 1 : i32
    %dma_start3A_1308 = tpu.memref_slice %arg2[%dma_start3A_1307, %multiple_of3A_1303, %multiple_of3A_1306] : memref<2x512x50176xf32, #tpu.memory_space<hbm>> -> memref<1x256x128xf32, #tpu.memory_space<hbm>>
    %dma_start3A_1309 = tpu.memref_squeeze %dma_start3A_1308 : memref<1x256x128xf32, #tpu.memory_space<hbm>> -> memref<256x128xf32, #tpu.memory_space<hbm>>
    %dma_start3A_1310 = tpu.memref_slice %arg2[%dma_start3A_1307, %multiple_of3A_1303, %multiple_of3A_1306] : memref<2x512x50176xf32, #tpu.memory_space<hbm>> -> memref<1x256x128xf32, #tpu.memory_space<hbm>>
    %dma_start3A_1311 = tpu.memref_squeeze %dma_start3A_1310 : memref<1x256x128xf32, #tpu.memory_space<hbm>> -> memref<256x128xf32, #tpu.memory_space<hbm>>
    tpu.enqueue_dma source(%dma_start3A_1311 : memref<256x128xf32, #tpu.memory_space<hbm>>) target(%arg4 : memref<256x128xf32, #tpu.memory_space<vmem>>) target_semaphore(%arg7 : memref<!tpu.dma_semaphore, #tpu.memory_space<semaphore_mem>>)
    %add3A_1312 = arith.constant 736 : i32
    %add3A_1313 = arith.addi %add3A, %add3A_1312 : i32
    %jit3A_1314 = arith.constant 392 : i32
    %div3A_1315 = arith.divsi %add3A_1313, %jit3A_1314 : i32
    %sign3A_1316 = arith.constant 0 : i32
    %sign3A_1317 = arith.cmpi sgt, %add3A_1313, %sign3A_1316 : i32
    %sign3A_1318 = arith.extui %sign3A_1317 : i1 to i32
    %sign3A_1319 = arith.constant 0 : i32
    %sign3A_1320 = arith.cmpi slt, %add3A_1313, %sign3A_1319 : i32
    %sign3A_1321 = arith.extui %sign3A_1320 : i1 to i32
    %sign3A_1322 = arith.subi %sign3A_1318, %sign3A_1321 : i32
    %sign3A_1323 = arith.constant 0 : i32
    %sign3A_1324 = arith.cmpi sgt, %jit3A_1314, %sign3A_1323 : i32
    %sign3A_1325 = arith.extui %sign3A_1324 : i1 to i32
    %sign3A_1326 = arith.constant 0 : i32
    %sign3A_1327 = arith.cmpi slt, %jit3A_1314, %sign3A_1326 : i32
    %sign3A_1328 = arith.extui %sign3A_1327 : i1 to i32
    %sign3A_1329 = arith.subi %sign3A_1325, %sign3A_1328 : i32
    %ne3A_1330 = arith.cmpi ne, %sign3A_1322, %sign3A_1329 : i32
    %rem3A_1331 = arith.remsi %add3A_1313, %jit3A_1314 : i32
    %ne3A_1332 = arith.constant 0 : i32
    %ne3A_1333 = arith.cmpi ne, %rem3A_1331, %ne3A_1332 : i32
    %and3A_1334 = arith.andi %ne3A_1330, %ne3A_1333 : i1
    %sub3A_1335 = arith.constant 1 : i32
    %sub3A_1336 = arith.subi %div3A_1315, %sub3A_1335 : i32
    %select_n3A_1337 = arith.select %and3A_1334, %sub3A_1336, %div3A_1315 : i32
    %jit3A_1338 = arith.constant 392 : i32
    %eq3A_1339 = arith.constant 0 : i32
    %eq3A_1340 = arith.cmpi eq, %jit3A_1338, %eq3A_1339 : i32
    %jit3A_1341 = arith.constant 1 : i32
    %select_n3A_1342 = arith.select %eq3A_1340, %jit3A_1341, %jit3A_1338 : i32
    %rem3A_1343 = arith.remsi %add3A_1313, %select_n3A_1342 : i32
    %ne3A_1344 = arith.constant 0 : i32
    %ne3A_1345 = arith.cmpi ne, %rem3A_1343, %ne3A_1344 : i32
    %lt3A_1346 = arith.constant 0 : i32
    %lt3A_1347 = arith.cmpi slt, %rem3A_1343, %lt3A_1346 : i32
    %lt3A_1348 = arith.constant 0 : i32
    %lt3A_1349 = arith.cmpi slt, %select_n3A_1342, %lt3A_1348 : i32
    %ne3A_1350 = arith.xori %lt3A_1347, %lt3A_1349 : i1
    %and3A_1351 = arith.andi %ne3A_1350, %ne3A_1345 : i1
    %add3A_1352 = arith.addi %rem3A_1343, %select_n3A_1342 : i32
    %select_n3A_1353 = arith.select %and3A_1351, %add3A_1352, %rem3A_1343 : i32
    %dma_wait3A_1354 = arith.constant 1 : i32
    %dma_wait3A_1355 = tpu.memref_slice %arg2[%dma_wait3A_1354, %multiple_of3A_1245, %multiple_of3A_1248] : memref<2x512x50176xf32, #tpu.memory_space<hbm>> -> memref<1x256x128xf32, #tpu.memory_space<hbm>>
    %dma_wait3A_1356 = tpu.memref_squeeze %dma_wait3A_1355 : memref<1x256x128xf32, #tpu.memory_space<hbm>> -> memref<256x128xf32, #tpu.memory_space<hbm>>
    %dma_wait3A_1357 = tpu.memref_slice %arg2[%dma_wait3A_1354, %multiple_of3A_1245, %multiple_of3A_1248] : memref<2x512x50176xf32, #tpu.memory_space<hbm>> -> memref<1x256x128xf32, #tpu.memory_space<hbm>>
    %dma_wait3A_1358 = tpu.memref_squeeze %dma_wait3A_1357 : memref<1x256x128xf32, #tpu.memory_space<hbm>> -> memref<256x128xf32, #tpu.memory_space<hbm>>
    tpu.wait_dma2 semaphore(%arg8 : memref<!tpu.dma_semaphore, #tpu.memory_space<semaphore_mem>>) src(%dma_wait3A_1358 : memref<256x128xf32, #tpu.memory_space<hbm>>) dst(%arg5 : memref<256x128xf32, #tpu.memory_space<vmem>>)
    %mul3A_1359 = arith.constant 256 : i32
    %mul3A_1360 = arith.muli %select_n3A_1337, %mul3A_1359 : i32
    %multiple_of3A_1361 = tpu.assume_multiple %mul3A_1360, 256 : i32
    %mul3A_1362 = arith.constant 128 : i32
    %mul3A_1363 = arith.muli %select_n3A_1353, %mul3A_1362 : i32
    %multiple_of3A_1364 = tpu.assume_multiple %mul3A_1363, 128 : i32
    %dma_start3A_1365 = arith.constant 1 : i32
    %dma_start3A_1366 = tpu.memref_slice %arg2[%dma_start3A_1365, %multiple_of3A_1361, %multiple_of3A_1364] : memref<2x512x50176xf32, #tpu.memory_space<hbm>> -> memref<1x256x128xf32, #tpu.memory_space<hbm>>
    %dma_start3A_1367 = tpu.memref_squeeze %dma_start3A_1366 : memref<1x256x128xf32, #tpu.memory_space<hbm>> -> memref<256x128xf32, #tpu.memory_space<hbm>>
    %dma_start3A_1368 = tpu.memref_slice %arg2[%dma_start3A_1365, %multiple_of3A_1361, %multiple_of3A_1364] : memref<2x512x50176xf32, #tpu.memory_space<hbm>> -> memref<1x256x128xf32, #tpu.memory_space<hbm>>
    %dma_start3A_1369 = tpu.memref_squeeze %dma_start3A_1368 : memref<1x256x128xf32, #tpu.memory_space<hbm>> -> memref<256x128xf32, #tpu.memory_space<hbm>>
    tpu.enqueue_dma source(%dma_start3A_1369 : memref<256x128xf32, #tpu.memory_space<hbm>>) target(%arg5 : memref<256x128xf32, #tpu.memory_space<vmem>>) target_semaphore(%arg8 : memref<!tpu.dma_semaphore, #tpu.memory_space<semaphore_mem>>)
    %dma_wait3A_1370 = arith.constant 1 : i32
    %dma_wait3A_1371 = tpu.memref_slice %arg2[%dma_wait3A_1370, %multiple_of3A_1303, %multiple_of3A_1306] : memref<2x512x50176xf32, #tpu.memory_space<hbm>> -> memref<1x256x128xf32, #tpu.memory_space<hbm>>
    %dma_wait3A_1372 = tpu.memref_squeeze %dma_wait3A_1371 : memref<1x256x128xf32, #tpu.memory_space<hbm>> -> memref<256x128xf32, #tpu.memory_space<hbm>>
    %dma_wait3A_1373 = tpu.memref_slice %arg2[%dma_wait3A_1370, %multiple_of3A_1303, %multiple_of3A_1306] : memref<2x512x50176xf32, #tpu.memory_space<hbm>> -> memref<1x256x128xf32, #tpu.memory_space<hbm>>
    %dma_wait3A_1374 = tpu.memref_squeeze %dma_wait3A_1373 : memref<1x256x128xf32, #tpu.memory_space<hbm>> -> memref<256x128xf32, #tpu.memory_space<hbm>>
    tpu.wait_dma2 semaphore(%arg7 : memref<!tpu.dma_semaphore, #tpu.memory_space<semaphore_mem>>) src(%dma_wait3A_1374 : memref<256x128xf32, #tpu.memory_space<hbm>>) dst(%arg4 : memref<256x128xf32, #tpu.memory_space<vmem>>)
    %dma_wait3A_1375 = arith.constant 1 : i32
    %dma_wait3A_1376 = tpu.memref_slice %arg2[%dma_wait3A_1375, %multiple_of3A_1361, %multiple_of3A_1364] : memref<2x512x50176xf32, #tpu.memory_space<hbm>> -> memref<1x256x128xf32, #tpu.memory_space<hbm>>
    %dma_wait3A_1377 = tpu.memref_squeeze %dma_wait3A_1376 : memref<1x256x128xf32, #tpu.memory_space<hbm>> -> memref<256x128xf32, #tpu.memory_space<hbm>>
    %dma_wait3A_1378 = tpu.memref_slice %arg2[%dma_wait3A_1375, %multiple_of3A_1361, %multiple_of3A_1364] : memref<2x512x50176xf32, #tpu.memory_space<hbm>> -> memref<1x256x128xf32, #tpu.memory_space<hbm>>
    %dma_wait3A_1379 = tpu.memref_squeeze %dma_wait3A_1378 : memref<1x256x128xf32, #tpu.memory_space<hbm>> -> memref<256x128xf32, #tpu.memory_space<hbm>>
    tpu.wait_dma2 semaphore(%arg8 : memref<!tpu.dma_semaphore, #tpu.memory_space<semaphore_mem>>) src(%dma_wait3A_1379 : memref<256x128xf32, #tpu.memory_space<hbm>>) dst(%arg5 : memref<256x128xf32, #tpu.memory_space<vmem>>)
    %get3A = arith.constant 0 : i32
    %get3A_1380 = arith.index_cast %get3A : i32 to index
    %get3A_1381 = arith.constant 0 : index
    %get3A_1382 = tpu.vector_load %arg4[%get3A_1380, %get3A_1381] {strides = array<i32>} : memref<256x128xf32, #tpu.memory_space<vmem>>, vector<1x16xf32>,
    %get3A_1383 = vector.shape_cast %get3A_1382 : vector<1x16xf32> to vector<16xf32>
    %swap3A = arith.constant 0 : index
    %swap3A_1384 = tpu.vector_load %arg6[%swap3A] {strides = array<i32>} : memref<16xf32, #tpu.memory_space<vmem>>, vector<16xf32>,
    %swap3A_1385 = vector.shape_cast %swap3A_1384 : vector<16xf32> to vector<16xf32>
    %swap3A_1386 = vector.shape_cast %get3A_1383 : vector<16xf32> to vector<16xf32>
    tpu.vector_store %arg6[%swap3A], %swap3A_1386 {strides = array<i32>} : memref<16xf32, #tpu.memory_space<vmem>>, vector<16xf32>,
    "tpu.region"() ({
      %run_scoped3A = tpu.sem_alloc : memref<!tpu.dma_semaphore, #tpu.memory_space<semaphore_mem>>
      %dma_start3A_1387 = arith.constant 0 : i32
      %dma_start3A_1388 = tpu.memref_slice %arg3[%add3A, %dma_start3A_1387] : memref<32x16xf32, #tpu.memory_space<hbm>> -> memref<1x16xf32, #tpu.memory_space<hbm>>
      %dma_start3A_1389 = tpu.memref_squeeze %dma_start3A_1388 : memref<1x16xf32, #tpu.memory_space<hbm>> -> memref<16xf32, #tpu.memory_space<hbm>>
      %dma_start3A_1390 = arith.constant 0 : i32
      %dma_start3A_1391 = tpu.memref_slice %arg3[%add3A, %dma_start3A_1390] : memref<32x16xf32, #tpu.memory_space<hbm>> -> memref<1x16xf32, #tpu.memory_space<hbm>>
      %dma_start3A_1392 = tpu.memref_squeeze %dma_start3A_1391 : memref<1x16xf32, #tpu.memory_space<hbm>> -> memref<16xf32, #tpu.memory_space<hbm>>
      tpu.enqueue_dma source(%arg6 : memref<16xf32, #tpu.memory_space<vmem>>) target(%dma_start3A_1392 : memref<16xf32, #tpu.memory_space<hbm>>) target_semaphore(%run_scoped3A : memref<!tpu.dma_semaphore, #tpu.memory_space<semaphore_mem>>)
      %dma_wait3A_1393 = arith.constant 0 : i32
      %dma_wait3A_1394 = tpu.memref_slice %arg3[%add3A, %dma_wait3A_1393] : memref<32x16xf32, #tpu.memory_space<hbm>> -> memref<1x16xf32, #tpu.memory_space<hbm>>
      %dma_wait3A_1395 = tpu.memref_squeeze %dma_wait3A_1394 : memref<1x16xf32, #tpu.memory_space<hbm>> -> memref<16xf32, #tpu.memory_space<hbm>>
      %dma_wait3A_1396 = arith.constant 0 : i32
      %dma_wait3A_1397 = tpu.memref_slice %arg3[%add3A, %dma_wait3A_1396] : memref<32x16xf32, #tpu.memory_space<hbm>> -> memref<1x16xf32, #tpu.memory_space<hbm>>
      %dma_wait3A_1398 = tpu.memref_squeeze %dma_wait3A_1397 : memref<1x16xf32, #tpu.memory_space<hbm>> -> memref<16xf32, #tpu.memory_space<hbm>>
      tpu.wait_dma2 semaphore(%run_scoped3A : memref<!tpu.dma_semaphore, #tpu.memory_space<semaphore_mem>>) src(%arg6 : memref<16xf32, #tpu.memory_space<vmem>>) dst(%dma_wait3A_1398 : memref<16xf32, #tpu.memory_space<hbm>>)
      tpu.yield
    }) : () -> ()
    return
  }
}

module attributes {stable_mosaic.version = 14 : i64} {
  func.func @_probe_tc(%arg0: i32, %arg1: memref<1x512x7168xf32, #tpu.memory_space<vmem>>, %arg2: memref<1x1xf32, #tpu.memory_space<vmem>>) attributes {dimension_semantics = [#tpu.dimension_semantics<arbitrary>], iteration_bounds = array<i64: 7>, scalar_prefetch = 0 : i64, scratch_operands = 0 : i64, tpu.core_type = #tpu.core_type<tc>, window_params = [{transform_indices = @transform_0, window_bounds = array<i64: 1, 512, 7168>}, {pipeline_mode = #tpu.pipeline_mode<synchronous>, transform_indices = @transform_1, window_bounds = array<i64: 1, 1>}]} {
    %eq3A = arith.constant 0 : i32
    %eq3A_0 = arith.cmpi eq, %arg0, %eq3A : i32
    %convert_element_type3A = arith.extui %eq3A_0 : i1 to i32
    %cond3A = arith.constant 0 : i32
    %cond3A_1 = arith.cmpi ne, %convert_element_type3A, %cond3A : i32
    scf.if %cond3A_1 {
      %broadcast_in_dim3A_15 = arith.constant 0.000000e+00 : f32
      %broadcast_in_dim3A_16 = vector.broadcast %broadcast_in_dim3A_15 : f32 to vector<1x1xf32>
      %swap3A_17 = arith.constant 0 : index
      %swap3A_18 = arith.constant 0 : index
      %swap3A_19 = vector.load %arg2[%swap3A_17, %swap3A_18] : memref<1x1xf32, #tpu.memory_space<vmem>>, vector<1x1xf32>
      tpu.vector_store %arg2[%swap3A_17, %swap3A_18], %broadcast_in_dim3A_16 {strides = array<i32>} : memref<1x1xf32, #tpu.memory_space<vmem>>, vector<1x1xf32>,
    } else {
    }
    %get3A = arith.constant 0 : index
    %get3A_2 = arith.constant 0 : index
    %get3A_3 = vector.load %arg2[%get3A, %get3A_2] : memref<1x1xf32, #tpu.memory_space<vmem>>, vector<1x1xf32>
    %get3A_4 = arith.constant 0 : index
    %get3A_5 = arith.constant 0 : index
    %get3A_6 = arith.constant 0 : index
    %get3A_7 = vector.load %arg1[%get3A_4, %get3A_5, %get3A_6] : memref<1x512x7168xf32, #tpu.memory_space<vmem>>, vector<1x512x7168xf32>
    %get3A_8 = vector.shape_cast %get3A_7 : vector<1x512x7168xf32> to vector<512x7168xf32>
    %reduce_sum3A = vector.shape_cast %get3A_8 : vector<512x7168xf32> to vector<1x512x7168xf32>
    %reduce_sum3A_9 = arith.constant dense<0.000000e+00> : vector<1xf32>
    %reduce_sum3A_10 = vector.multi_reduction <add>, %reduce_sum3A, %reduce_sum3A_9 [1, 2] : vector<1x512x7168xf32> to vector<1xf32>
    %reduce_sum3A_11 = vector.shape_cast %reduce_sum3A_10 : vector<1xf32> to vector<1x1x1xf32>
    %reduce_sum3A_12 = vector.extract %reduce_sum3A_11[0, 0, 0] : f32 from vector<1x1x1xf32>
    %broadcast_in_dim3A = vector.broadcast %reduce_sum3A_12 : f32 to vector<1x1xf32>
    %add3A = arith.addf %get3A_3, %broadcast_in_dim3A : vector<1x1xf32>
    %swap3A = arith.constant 0 : index
    %swap3A_13 = arith.constant 0 : index
    %swap3A_14 = vector.load %arg2[%swap3A, %swap3A_13] : memref<1x1xf32, #tpu.memory_space<vmem>>, vector<1x1xf32>
    tpu.vector_store %arg2[%swap3A, %swap3A_13], %add3A {strides = array<i32>} : memref<1x1xf32, #tpu.memory_space<vmem>>, vector<1x1xf32>,
    return
  }
  func.func @transform_0(%arg0: i32) -> (i32, i32, i32) {
    %c0_i32 = arith.constant 0 : i32
    %c0_i32_0 = arith.constant 0 : i32
    %c0_i32_1 = arith.constant 0 : i32
    return %c0_i32, %c0_i32_0, %arg0 : i32, i32, i32
  }
  func.func @transform_1(%arg0: i32) -> (i32, i32) {
    %c0_i32 = arith.constant 0 : i32
    %c0_i32_0 = arith.constant 0 : i32
    %c0_i32_1 = arith.constant 0 : i32
    return %c0_i32, %c0_i32_0 : i32, i32
  }
}

</mosaic_0001>

<sc_bundles>
// kernel: _run.4.cloned.1.call-start
scs
__scs_entry_jumppad:
0x0: {  	(pc) =	sbr.rel $0x88, $3  }
0x1: {  	(tag) =	ssettag $0x0;
	lr =	simm.s32 $0x1  }
0x2: {  	[smem:$0x3FA0] =	sst lr;
	_ =	strace $0xD0000000  }
0x3: {  	_ = 	snop  }
0x4: {  	_ = 	snop  }
0x5: {  	_ = 	snop  }
0x6: {  	_ = 	snop  }
0x7: {  	_ = 	snop  }
__scs_overlays_trampoline_lowered:
0x8: {  	[smem:$0x3FAF] =	sst s0  }
0x9: {  	[smem:$0x3FB0] =	sst s1  }
0xa: {  	[smem:$0x3FB1] =	sst s2  }
0xb: {  	[smem:$0x3FB2] =	sst s3  }
0xc: {  	[smem:$0x3FB3] =	sst s4  }
0xd: {  	[smem:$0x3FB4] =	sst s5  }
0xe: {  	[smem:$0x3FB5] =	sst s6  }
0xf: {  	[smem:$0x3FB6] =	sst s7  }
0x10: {  	[smem:$0x3FB7] =	sst s8  }
0x11: {  	[smem:$0x3FB8] =	sst s9;
	s0 =	simm.s32 @!p0 $0x0  }
0x12: {  	s1 =	sld [smem:$0x3F9E];
	s0 =	simm.s32 @p0 $0x1  }
0x13: {  	[smem:$0x3FB9] =	sst s0;
	s0 =	simm.s32 @!p1 $0x0  }
0x14: {  	s2 =	sld [smem:$0x3F9D];
	s0 =	simm.s32 @p1 $0x1  }
0x15: {  	[smem:$0x3FBA] =	sst s0;
	s0 =	simm.s32 @!p2 $0x0  }
0x16: {  	s3 =	sld [smem:$0x3FDB];
	s0 =	simm.s32 @p2 $0x1  }
0x17: {  	s4 =	simm.s32 $0x1BF5;
	[smem:$0x3FBC] =	sst s0  }
0x18: {  	s0 =	sld [smem:$0x3F9F];
	_ =	swait.ge [sflag:s4], $0x0  }
0x19: {  	s7 =	sld [smem:$0x3FA0]  }
0x1a: {  	s8 =	sadd.s32 $0xFFFFE003, lr  }
0x1b: {  	s9 =	sadd.s32 $0xFFFFFEF7, lr;
	s5 =	simm.s32 $0xFFFFFFFF;
	p2 =	slt.u32 s8, $0xFFFFF086  }
0x1c: {  	p1 =	slt.u32 s9, $0xF7A;
	s5 =	simm.s32 @!p2 $0x0  }
0x1d: {  	s5 =	simm.s32 @p1 $0x1;
	p0 =	seq.s32 s7, s2  }
0x1e: {  	s7 =	smul.u32 @!p0 $0xF7A, s2;
	p2 =	seq.s32 @!p0 s5, $0x0  }
0x1f: {  	s9 =	smul.u32 $0xF7A, s1;
	s8 =	simm.s32 @!p0 $0x1BF5;
	p2 =	por !p2, p0  }
0x20: {  	[sflag:s8] =	ssyncset.s32 @!p0 $0xFFFFF086;
	s6 =	sadd.s32 @!p0 s3, s7;
	s7 =	simm.s32 @!p0 $0x108  }
0x21: {  	s3 =	sadd.s32 s3, s9;
	s6 =	sadd.s32 @!p0 $0x88, s6;
	s7 =	simm.s32 @p2 $0x1082  }
0x22: {  	[simem:s7], [sflag:s8] =	dma.local @!p0 [hbm:s6], $0xF7A  }
0x23: {  	s9 =	sor.u32 $0xD0000000, s2;
	s6 =	simm.s32 $0x108;
	_ =	swait.ge @!p0 [sflag:s8], $0x0  }
0x24: {  	s3 =	sadd.s32 $0x88, s3;
	s6 =	simm.s32 @!p1 $0x1082;
	[sflag:s4] =	ssyncset.s32 $0xFFFFF086  }
0x25: {  	[simem:s6], [sflag:s4] =	dma.local [hbm:s3], $0xF7A  }
0x26: {  	[smem:$0x3FA0] =	sst s1;
	(tag) =	ssettag s2;
	_ =	strace s9  }
0x27: {  	s1 =	sld [smem:$0x3FB0]  }
0x28: {  	s2 =	sld [smem:$0x3FB1]  }
0x29: {  	s4 =	sld [smem:$0x3FB3]  }
0x2a: {  	p0 =	seq.s32 s5, $0x0;
	s5 =	sld [smem:$0x3FB4]  }
0x2b: {  	s6 =	sld [smem:$0x3FB5]  }
0x2c: {  	s7 =	sld [smem:$0x3FB6]  }
0x2d: {  	s3 =	simm.s32 $0x108;
	s8 =	sld [smem:$0x3FB7]  }
0x2e: {  	s3 =	simm.s32 @!p0 $0x1082;
	s9 =	sld [smem:$0x3FB8]  }
0x2f: {  	lr =	sadd.s32 s0, s3;
	s0 =	sld [smem:$0x3FAF]  }
0x30: {  	s3 =	sld [smem:$0x3FB2]  }
0x31: {  	[smem:$0x3FBB] =	sst s10  }
0x32: {  	s10 =	sld [smem:$0x3FB9];
	_ =	sdelay $0x3  }
0x33: {  	p0 =	seq.s32 s10, $0x1;
	s10 =	sld [smem:$0x3FBB];
	_ =	sdelay $0x3  }
0x34: {  	[smem:$0x3FBB] =	sst s10  }
0x35: {  	s10 =	sld [smem:$0x3FBA];
	_ =	sdelay $0x3  }
0x36: {  	p1 =	seq.s32 s10, $0x1;
	s10 =	sld [smem:$0x3FBB];
	_ =	sdelay $0x3  }
0x37: {  	[smem:$0x3FBB] =	sst s10  }
0x38: {  	s10 =	sld [smem:$0x3FBC]  }
0x39: {  	_ = 	snop;
	(pc) =	sbr.ind lr, $3  }
0x3a: {  	_ = 	snop  }
0x3b: {  	_ = 	snop  }
0x3c: {  	p2 =	seq.s32 s10, $0x1;
	s10 =	sld [smem:$0x3FBB]  }
0x3d: {  	_ =	shalt  }
0x3e: {  	_ =	shalt  }
0x3f: {  	_ =	shalt  }
0x40: {  	_ =	shalt  }
0x41: {  	_ =	shalt  }
0x42: {  	_ =	shalt  }
0x43: {  	_ =	shalt  }
0x44: {  	_ =	shalt  }
0x45: {  	_ =	shalt  }
0x46: {  	_ =	shalt  }
0x47: {  	_ =	shalt  }
0x48: {  	_ =	shalt  }
0x49: {  	_ =	shalt  }
0x4a: {  	_ =	shalt  }
0x4b: {  	_ =	shalt  }
0x4c: {  	_ =	shalt  }
0x4d: {  	_ =	shalt  }
0x4e: {  	_ =	shalt  }
0x4f: {  	_ =	shalt  }
0x50: {  	_ =	shalt  }
0x51: {  	_ =	shalt  }
0x52: {  	_ =	shalt  }
0x53: {  	_ =	shalt  }
0x54: {  	_ =	shalt  }
0x55: {  	_ =	shalt  }
0x56: {  	_ =	shalt  }
0x57: {  	_ =	shalt  }
0x58: {  	_ =	shalt  }
0x59: {  	_ =	shalt  }
0x5a: {  	_ =	shalt  }
0x5b: {  	_ =	shalt  }
0x5c: {  	_ =	shalt  }
0x5d: {  	_ =	shalt  }
0x5e: {  	_ =	shalt  }
0x5f: {  	_ =	shalt  }
0x60: {  	_ =	shalt  }
0x61: {  	_ =	shalt  }
0x62: {  	_ =	shalt  }
0x63: {  	_ =	shalt  }
0x64: {  	_ =	shalt  }
0x65: {  	_ =	shalt  }
0x66: {  	_ =	shalt  }
0x67: {  	_ =	shalt  }
0x68: {  	_ =	shalt  }
0x69: {  	_ =	shalt  }
0x6a: {  	_ =	shalt  }
0x6b: {  	_ =	shalt  }
0x6c: {  	_ =	shalt  }
0x6d: {  	_ =	shalt  }
0x6e: {  	_ =	shalt  }
0x6f: {  	_ =	shalt  }
0x70: {  	_ =	shalt  }
0x71: {  	_ =	shalt  }
0x72: {  	_ =	shalt  }
0x73: {  	_ =	shalt  }
0x74: {  	_ =	shalt  }
0x75: {  	_ =	shalt  }
0x76: {  	_ =	shalt  }
0x77: {  	_ =	shalt  }
0x78: {  	_ =	shalt  }
0x79: {  	_ =	shalt  }
0x7a: {  	_ =	shalt  }
0x7b: {  	_ =	shalt  }
0x7c: {  	_ =	shalt  }
0x7d: {  	_ =	shalt  }
0x7e: {  	_ =	shalt  }
0x7f: {  	_ =	shalt  }
0x80: {  	_ =	shalt  }
0x81: {  	_ =	shalt  }
0x82: {  	_ =	shalt  }
0x83: {  	_ =	shalt  }
0x84: {  	_ =	shalt  }
0x85: {  	_ =	shalt  }
0x86: {  	_ =	shalt  }
0x87: {  	_ =	shalt  }
.Lfunc_end0:
.L_simem_size_0:
called_computation_lowered:
.L_overlay_start_0:
0x88: {  	s2 =	sld [smem:$0x3FD9]  }
0x89: {  	s3 =	sld [smem:$0x3FFE];
	_ =	sdelay $0x1  }
0x8a: {  	s1 =	srdreg.scid  }
0x8b: {  	s0 =	sand.u32 $0x1, s1  }
0x8c: {  	s16 =	sshll.u32 s0, $0xA;
	s2 =	sadd.s32 s3, s2  }
0x8d: {  	s2 =	sadd.s32 s2, s16  }
0x8e: {  	[smem:$0x3FC7] =	sst s2  }
0x8f: {  	_ = 	snop  }
0x90: {  	(tm) =	ssettm $0x1  }
0x91: {  	s17 =	sld [smem:$0x3FFB];
	_ =	sdelay $0x3  }
0x92: {  	_ =	strace s17  }
0x93: {  	s2 =	sld [smem:$0x3FFC];
	_ =	sdelay $0x3  }
0x94: {  	_ =	strace s2  }
0x95: {  	s2 =	sld [smem:$0x3FFD];
	_ =	sdelay $0x3  }
0x96: {  	_ =	strace s2  }
0x97: {  	_ =	strace $0x8FFFFFFF  }
0x98: {  	s18 =	sld [smem:$0x3FDB];
	_ =	sdelay $0x1  }
0x99: {  	s19 =	simm.s32 $_scs_section_size  }
0x9a: {  	s4 =	simm.s32 $_size__tile_overlayer_lowered;
	s5 =	simm.s32 $_tile_overlayer_lowered  }
0x9b: {  	s22 =	simm.s32 $0x1BFF;
	s21 =	sshll.u32 s5, $0x1;
	s2 =	sadd.s32 s19, s18  }
0x9c: {  	s6 =	simm.s32 $0x0;
	s20 =	sshll.u32 s4, $0x1;
	s4 =	sadd.s32 s21, s2  }
0x9d: {  	[timem:s6], [sflag:s22] =	dma.local [hbm:s4], s20  }
0x9e: {  	_ =	swait.ge [sflag:s22], s20  }
0x9f: {  	s3 =	ssub.s32 $0x0, s20;
	[sflag:s22] =	ssyncset.done $0x0  }
0xa0: {  	[sflag:s22] =	ssyncadd.s32 s3;
	_ =	sdelay $0x1  }
0xa1: {  	s23 =	simm.s32 $0x1B8B  }
0xa2: {  	_ =	swait.ge [sflag:s23], $0x1  }
0xa3: {  	[sflag:s23] =	ssyncset.done $0x0  }
0xa4: {  	s25 =	simm.s32 $0x1B8E;
	s24 =	sld [smem:$0x3FFE];
	[sflag:s23] =	ssyncadd.s32 $0xFFFFFFFF  }
0xa5: {  	s26 =	simm.s32 $execute0_lowered;
	[smem:$0x3FD2] =	sst s25  }
0xa6: {  	s4 =	sshll.u32 s26, $0x1;
	_ =	strace $0x80000046;
	[dreg:$0x1] =	wrdreg $0xFFFFFFFF  }
0xa7: {  	s28 =	simm.s32 $_size_execute0_lowered;
	s2 =	sadd.s32 s2, s4;
	[dreg:$0x0] =	wrdreg $0x0  }
0xa8: {  	s4 =	sshll.u32 s28, $0x1;
	[dreg:$0x2] =	wrdreg s2  }
0xa9: {  	[dreg:$0x3] =	wrdreg s4  }
0xaa: {  	[dreg:$0x4] =	wrdreg $0xC0  }
0xab: {  	_ =	task [dreg:s6], $0x5FFFF  }
0xac: {  	[dreg:$0x1] =	wrdreg $0xFFFFFFFF  }
0xad: {  	[dreg:$0x0] =	wrdreg $0x60  }
0xae: {  	[dreg:$0x2] =	wrdreg s24  }
0xaf: {  	[dreg:$0x3] =	wrdreg $0x9  }
0xb0: {  	_ =	task.clear_ibuf [dreg:s6], $0x4FFFF;
	_ =	strace $0x90000046  }
0xb1: {  	s29 =	simm.s32 $0x9;
	_ =	strace $0x80000048  }
0xb2: {  	_ =	swait.ge [sflag:s29], $0x1  }
0xb3: {  	[sflag:s29] =	ssyncadd.s32 $0xFFFFFFFF  }
0xb4: {  	_ =	strace $0x90000048  }
0xb5: {  	_ =	sfence  }
0xb6: {  	s30 =	sld [smem:$0x0];
	_ =	sdelay $0x2  }
0xb7: {  	s31 =	sshll.u32 s1, $0xD;
	s1 =	sshrl.u32 s1, $0x2  }
0xb8: {  	s3 =	sand.u32 $0x4000, s31;
	s1 =	sadd.s32 s1, s30  }
0xb9: {  	s0 =	sor.u32 s3, s0;
	s1 =	sshll.u32 s1, $0x11  }
0xba: {  	s0 =	sor.u32 s1, s0  }
0xbb: {  	s0 =	sadd.s32 $0x8F2B, s0  }
0xbc: {  	[sflag:s0] =	ssyncadd.remote.s32 $0x1  }
0xbd: {  	_ =	sfence.sel $0xFFFF  }
0xbe: {  	[dreg:$0x0] =	wrdreg $0xFFFFFFFF;
	(pc) =	sbr.abs _section_cstart, $3  }
0xbf: {  	[dreg:$0x1] =	wrdreg $0xFFFFFFFF  }
0xc0: {  	_ =	task.clear_ibuf [dreg:s6], $0x2FFFF;
	_ =	strace $0x9FFFFFFF  }
0xc1: {  	(tm) =	ssettm $0x7FFFFFFF  }
tec
execute0_lowered:
.L_overlay_start_1:
0x0: {  	(tag) =	ssettag $0x1  }
0x1: {  	s1 =	srdreg.scid;
	s0 =	stileid.u32  }
0x2: {  	s29 =	sand.u32 $0x1, s1;
	s2 =	sshll.u32 s0, $0x1  }
0x3: {  	s30 =	sor.u32 s29, s2  }
0x4: {  	s0 =	rddreg [dreg:$0x0];
	s3 =	sshll.u32 s30, $0x7  }
0x5: {  	s2 =	simm.s32 $0x0;
	s28 =	sadd.s32 s3, s0  }
0x6: {  	[smem:$0x7FF] =	sst s2;
	s3 =	sadd.s32 $0x310000, s28  }
0x7: {  	_ =	strace $0x80000047;
	s24 =	sadd.s32 $0x311000, s28;
	[dreg:$0x2] =	wrdreg s3  }
0x8: {  	s25 =	sadd.s32 $0x312000, s28;
	[dreg:$0x3] =	wrdreg s24  }
0x9: {  	s6 =	sadd.s32 $0x313000, s28;
	[dreg:$0x4] =	wrdreg s25  }
0xa: {  	[dreg:$0x5] =	wrdreg s6  }
0xb: {  	s4 =	simm.s32 $0x62000;
	s3 =	simm.s32 $0x400;
	s5 =	rddreg [dreg:$0x2]  }
0xc: {  	[tilespmem:s2], [sflag:$0x1] =	stream.strided.gather [hbm4b:s5+s3], $0x8000, s4, s3, $0x38;
	[tilespmem:$0x10080] =	vst v63  }
0xd: {  	s6 =	simm.s32 $0x1;
	s7 =	rddreg [dreg:$0x3];
	s5 =	simm.s32 $0x8000  }
0xe: {  	[tilespmem:s5], [sflag:$0x2] =	stream.strided.gather [hbm4b:s7+s3], $0x8000, s4, s3, $0x38;
	[tilespmem:$0x10080] =	vst v63  }
0xf: {  	_ =	swait.ge [sflag:s6], $0x8000  }
0x10: {  	[sflag:s6] =	ssyncset.done $0x0  }
0x11: {  	s7 =	simm.s32 $0x2;
	s8 =	rddreg [dreg:$0x4];
	[sflag:s6] =	ssyncadd.s32 $0xFFFF8000  }
0x12: {  	[tilespmem:s2], [sflag:$0x1] =	stream.strided.gather [hbm4b:s8+s3], $0x8000, s4, s3, $0x38;
	[tilespmem:$0x10080] =	vst v63  }
0x13: {  	_ =	swait.ge [sflag:s7], $0x8000  }
0x14: {  	[sflag:s7] =	ssyncset.done $0x0  }
0x15: {  	s26 =	rddreg [dreg:$0x5];
	[sflag:s7] =	ssyncadd.s32 $0xFFFF8000  }
0x16: {  	[tilespmem:s5], [sflag:$0x2] =	stream.strided.gather [hbm4b:s26+s3], $0x8000, s4, s3, $0x38;
	[tilespmem:$0x10080] =	vst v63  }
0x17: {  	_ =	swait.ge [sflag:s6], $0x8000  }
0x18: {  	[sflag:s6] =	ssyncset.done $0x0  }
0x19: {  	s8 =	sadd.s32 $0x314000, s28;
	[sflag:s6] =	ssyncadd.s32 $0xFFFF8000  }
0x1a: {  	[tilespmem:s2], [sflag:$0x1] =	stream.strided.gather [hbm4b:s8+s3], $0x8000, s4, s3, $0x38;
	[tilespmem:$0x10080] =	vst v63  }
0x1b: {  	_ =	swait.ge [sflag:s7], $0x8000  }
0x1c: {  	[sflag:s7] =	ssyncset.done $0x0  }
0x1d: {  	s9 =	sadd.s32 $0x315000, s28;
	[sflag:s7] =	ssyncadd.s32 $0xFFFF8000  }
0x1e: {  	[tilespmem:s5], [sflag:$0x2] =	stream.strided.gather [hbm4b:s9+s3], $0x8000, s4, s3, $0x38;
	[tilespmem:$0x10080] =	vst v63  }
0x1f: {  	_ =	swait.ge [sflag:s6], $0x8000  }
0x20: {  	[sflag:s6] =	ssyncset.done $0x0  }
0x21: {  	s10 =	sadd.s32 $0x316000, s28;
	[sflag:s6] =	ssyncadd.s32 $0xFFFF8000  }
0x22: {  	[tilespmem:s2], [sflag:$0x1] =	stream.strided.gather [hbm4b:s10+s3], $0x8000, s4, s3, $0x38;
	[tilespmem:$0x10080] =	vst v63  }
0x23: {  	_ =	swait.ge [sflag:s7], $0x8000  }
0x24: {  	[sflag:s7] =	ssyncset.done $0x0  }
0x25: {  	s11 =	sadd.s32 $0x317000, s28;
	[sflag:s7] =	ssyncadd.s32 $0xFFFF8000  }
0x26: {  	[tilespmem:s5], [sflag:$0x2] =	stream.strided.gather [hbm4b:s11+s3], $0x8000, s4, s3, $0x38;
	[tilespmem:$0x10080] =	vst v63  }
0x27: {  	_ =	swait.ge [sflag:s6], $0x8000  }
0x28: {  	[sflag:s6] =	ssyncset.done $0x0  }
0x29: {  	s12 =	sadd.s32 $0x318000, s28;
	[sflag:s6] =	ssyncadd.s32 $0xFFFF8000  }
0x2a: {  	[tilespmem:s2], [sflag:$0x1] =	stream.strided.gather [hbm4b:s12+s3], $0x8000, s4, s3, $0x38;
	[tilespmem:$0x10080] =	vst v63  }
0x2b: {  	_ =	swait.ge [sflag:s7], $0x8000  }
0x2c: {  	[sflag:s7] =	ssyncset.done $0x0  }
0x2d: {  	s13 =	sadd.s32 $0x319000, s28;
	[sflag:s7] =	ssyncadd.s32 $0xFFFF8000  }
0x2e: {  	[tilespmem:s5], [sflag:$0x2] =	stream.strided.gather [hbm4b:s13+s3], $0x8000, s4, s3, $0x38;
	[tilespmem:$0x10080] =	vst v63  }
0x2f: {  	s15 =	sor.u32 $0x180, s30;
	_ =	swait.ge [sflag:s6], $0x8000  }
0x30: {  	s16 =	simm.s32 $0xC40000;
	p0 =	sgt.u32 s15, $0x187;
	[sflag:s6] =	ssyncset.done $0x0  }
0x31: {  	s17 =	sshll.u32 s15, $0xA;
	s14 =	sadd.s32 $0x31A000, s28;
	[sflag:s6] =	ssyncadd.s32 $0xFFFF8000  }
0x32: {  	[tilespmem:s2], [sflag:$0x1] =	stream.strided.gather [hbm4b:s14+s3], $0x8000, s4, s3, $0x38;
	[tilespmem:$0x10080] =	vst v63  }
0x33: {  	p1 =	slt.u32 s15, $0x188;
	s18 =	sadd.s32 $0xFFF9E000, s17;
	_ =	swait.ge [sflag:s7], $0x8000  }
0x34: {  	s16 =	simm.s32 @!p0 $0x0;
	s18 =	smov.u32 @p1 s17;
	[sflag:s7] =	ssyncset.done $0x0  }
0x35: {  	s15 =	sadd.s32 $0x31B000, s28;
	s16 =	sadd.s32 s18, s16;
	[sflag:s7] =	ssyncadd.s32 $0xFFFF8000  }
0x36: {  	[tilespmem:s5], [sflag:$0x2] =	stream.strided.gather [hbm4b:s15+s3], $0x8000, s4, s3, $0x38;
	[tilespmem:$0x10080] =	vst v63  }
0x37: {  	s16 =	sadd.s32 $0x1880000, s16;
	_ =	swait.ge [sflag:s6], $0x8000  }
0x38: {  	s16 =	sshrl.u32 s16, $0x3;
	[sflag:s6] =	ssyncset.done $0x0  }
0x39: {  	s16 =	sadd.s32 s0, s16;
	[sflag:s6] =	ssyncadd.s32 $0xFFFF8000  }
0x3a: {  	[tilespmem:s2], [sflag:$0x1] =	stream.strided.gather [hbm4b:s16+s3], $0x8000, s4, s3, $0x38;
	[tilespmem:$0x10080] =	vst v63  }
0x3b: {  	_ =	swait.ge [sflag:s7], $0x8000  }
0x3c: {  	[sflag:s7] =	ssyncset.done $0x0  }
0x3d: {  	s17 =	sadd.s32 $0x498C00, s28;
	[sflag:s7] =	ssyncadd.s32 $0xFFFF8000  }
0x3e: {  	[tilespmem:s5], [sflag:$0x2] =	stream.strided.gather [hbm4b:s17+s3], $0x8000, s4, s3, $0x38;
	[tilespmem:$0x10080] =	vst v63  }
0x3f: {  	_ =	swait.ge [sflag:s6], $0x8000  }
0x40: {  	[sflag:s6] =	ssyncset.done $0x0  }
0x41: {  	s18 =	sadd.s32 $0x499C00, s28;
	[sflag:s6] =	ssyncadd.s32 $0xFFFF8000  }
0x42: {  	[tilespmem:s2], [sflag:$0x1] =	stream.strided.gather [hbm4b:s18+s3], $0x8000, s4, s3, $0x38;
	[tilespmem:$0x10080] =	vst v63  }
0x43: {  	_ =	swait.ge [sflag:s7], $0x8000  }
0x44: {  	[sflag:s7] =	ssyncset.done $0x0  }
0x45: {  	s19 =	sadd.s32 $0x49AC00, s28;
	[sflag:s7] =	ssyncadd.s32 $0xFFFF8000  }
0x46: {  	[tilespmem:s5], [sflag:$0x2] =	stream.strided.gather [hbm4b:s19+s3], $0x8000, s4, s3, $0x38;
	[tilespmem:$0x10080] =	vst v63  }
0x47: {  	_ =	swait.ge [sflag:s6], $0x8000  }
0x48: {  	[sflag:s6] =	ssyncset.done $0x0  }
0x49: {  	s20 =	sadd.s32 $0x49BC00, s28;
	[sflag:s6] =	ssyncadd.s32 $0xFFFF8000  }
0x4a: {  	[tilespmem:s2], [sflag:$0x1] =	stream.strided.gather [hbm4b:s20+s3], $0x8000, s4, s3, $0x38;
	[tilespmem:$0x10080] =	vst v63  }
0x4b: {  	_ =	swait.ge [sflag:s7], $0x8000  }
0x4c: {  	[sflag:s7] =	ssyncset.done $0x0  }
0x4d: {  	s21 =	sadd.s32 $0x49CC00, s28;
	[sflag:s7] =	ssyncadd.s32 $0xFFFF8000  }
0x4e: {  	[tilespmem:s5], [sflag:$0x2] =	stream.strided.gather [hbm4b:s21+s3], $0x8000, s4, s3, $0x38;
	[tilespmem:$0x10080] =	vst v63  }
0x4f: {  	_ =	swait.ge [sflag:s6], $0x8000  }
0x50: {  	[sflag:s6] =	ssyncset.done $0x0  }
0x51: {  	s22 =	sadd.s32 $0x49DC00, s28;
	[sflag:s6] =	ssyncadd.s32 $0xFFFF8000  }
0x52: {  	[tilespmem:s2], [sflag:$0x1] =	stream.strided.gather [hbm4b:s22+s3], $0x8000, s4, s3, $0x38;
	[tilespmem:$0x10080] =	vst v63  }
0x53: {  	_ =	swait.ge [sflag:s7], $0x8000  }
0x54: {  	[sflag:s7] =	ssyncset.done $0x0  }
0x55: {  	s23 =	sadd.s32 $0x49EC00, s28;
	[sflag:s7] =	ssyncadd.s32 $0xFFFF8000  }
0x56: {  	[tilespmem:s5], [sflag:$0x2] =	stream.strided.gather [hbm4b:s23+s3], $0x8000, s4, s3, $0x38;
	[tilespmem:$0x10080] =	vst v63  }
0x57: {  	_ =	swait.ge [sflag:s6], $0x8000  }
0x58: {  	[sflag:s6] =	ssyncset.done $0x0  }
0x59: {  	s24 =	sadd.s32 $0x49FC00, s28;
	[sflag:s6] =	ssyncadd.s32 $0xFFFF8000  }
0x5a: {  	[tilespmem:s2], [sflag:$0x1] =	stream.strided.gather [hbm4b:s24+s3], $0x8000, s4, s3, $0x38;
	[tilespmem:$0x10080] =	vst v63  }
0x5b: {  	_ =	swait.ge [sflag:s7], $0x8000  }
0x5c: {  	[sflag:s7] =	ssyncset.done $0x0  }
0x5d: {  	s25 =	sadd.s32 $0x4A0C00, s28;
	[sflag:s7] =	ssyncadd.s32 $0xFFFF8000  }
0x5e: {  	[tilespmem:s5], [sflag:$0x2] =	stream.strided.gather [hbm4b:s25+s3], $0x8000, s4, s3, $0x38;
	[tilespmem:$0x10080] =	vst v63  }
0x5f: {  	_ =	swait.ge [sflag:s6], $0x8000  }
0x60: {  	[sflag:s6] =	ssyncset.done $0x0  }
0x61: {  	s26 =	sadd.s32 $0x4A1C00, s28;
	[sflag:s6] =	ssyncadd.s32 $0xFFFF8000  }
0x62: {  	[tilespmem:s2], [sflag:$0x1] =	stream.strided.gather [hbm4b:s26+s3], $0x8000, s4, s3, $0x38;
	[tilespmem:$0x10080] =	vst v63  }
0x63: {  	_ =	swait.ge [sflag:s7], $0x8000  }
0x64: {  	[sflag:s7] =	ssyncset.done $0x0  }
0x65: {  	s28 =	sadd.s32 $0x4A2C00, s28;
	[sflag:s7] =	ssyncadd.s32 $0xFFFF8000  }
0x66: {  	[tilespmem:s5], [sflag:$0x2] =	stream.strided.gather [hbm4b:s28+s3], $0x8000, s4, s3, $0x38;
	[tilespmem:$0x10080] =	vst v63  }
0x67: {  	_ =	swait.ge [sflag:s6], $0x8000  }
0x68: {  	[sflag:s6] =	ssyncset.done $0x0  }
0x69: {  	[sflag:s6] =	ssyncadd.s32 $0xFFFF8000  }
0x6a: {  	_ =	swait.ge [sflag:s7], $0x8000  }
0x6b: {  	s29 =	ssub.s32 $0x2, s29;
	[sflag:s7] =	ssyncset.done $0x0  }
0x6c: {  	s30 =	sshll.u32 s30, $0x4;
	s31 =	sshrl.u32 s29, $0x1;
	[sflag:s7] =	ssyncadd.s32 $0xFFFF8000  }
0x6d: {  	s1 =	sadd.s32 s30, s0;
	s0 =	ssub.s32 s29, s31;
	v0 =	vld [tilespmem:$0x0]  }
0x6e: {  	s29 =	sadd.s32 $0x620000, s1;
	s1 =	smax.u32 s0, $0x1  }
0x6f: {  	p0 =	sne.s32 s1, $0x1  }
.Ltmp0:
0x70: {  	_ = 	snop;
	(pc) =	sbr.rel @!p0 .LBB2_2-.Ltmp0, $4  }
0x71: {  	_ = 	snop  }
0x72: {  	s30 =	simm.s32 $0x10000;
	s31 =	simm.s32 $0x3;
	[tilespmem:$0x10000] =	vst v0  }
0x73: {  	[hbm4b:s29+s2] =	stream.linear.scatter [tilespmem:s30], [sflag:$0x3], $0x80, $0x38;
	[tilespmem:$0x10080] =	vst v63  }
0x74: {  	s1 =	sadd.s32 $0xFFFFFFFF, s1;
	_ =	swait.ge [sflag:s31], $0x80  }
.LBB2_1:
0x75: {  	[sflag:s31] =	ssyncset.done $0x0  }
0x76: {  	s0 =	rddreg [dreg:$0x2];
	[sflag:s31] =	ssyncadd.s32 $0xFFFFFF80  }
0x77: {  	[tilespmem:s2], [sflag:$0x1] =	stream.strided.gather [hbm4b:s0+s3], $0x8000, s4, s3, $0x38;
	[tilespmem:$0x10080] =	vst v63  }
0x78: {  	s30 =	rddreg [dreg:$0x3]  }
0x79: {  	[tilespmem:s5], [sflag:$0x2] =	stream.strided.gather [hbm4b:s30+s3], $0x8000, s4, s3, $0x38;
	[tilespmem:$0x10080] =	vst v63  }
0x7a: {  	_ =	swait.ge [sflag:s6], $0x8000  }
0x7b: {  	[sflag:s6] =	ssyncset.done $0x0  }
0x7c: {  	s30 =	rddreg [dreg:$0x4];
	[sflag:s6] =	ssyncadd.s32 $0xFFFF8000  }
0x7d: {  	[tilespmem:s2], [sflag:$0x1] =	stream.strided.gather [hbm4b:s30+s3], $0x8000, s4, s3, $0x38;
	[tilespmem:$0x10080] =	vst v63  }
0x7e: {  	_ =	swait.ge [sflag:s7], $0x8000  }
0x7f: {  	[sflag:s7] =	ssyncset.done $0x0  }
0x80: {  	s30 =	rddreg [dreg:$0x5];
	[sflag:s7] =	ssyncadd.s32 $0xFFFF8000  }
0x81: {  	[tilespmem:s5], [sflag:$0x2] =	stream.strided.gather [hbm4b:s30+s3], $0x8000, s4, s3, $0x38;
	[tilespmem:$0x10080] =	vst v63  }
0x82: {  	_ =	swait.ge [sflag:s6], $0x8000  }
0x83: {  	[sflag:s6] =	ssyncset.done $0x0  }
0x84: {  	[sflag:s6] =	ssyncadd.s32 $0xFFFF8000  }
0x85: {  	[tilespmem:s2], [sflag:$0x1] =	stream.strided.gather [hbm4b:s8+s3], $0x8000, s4, s3, $0x38;
	[tilespmem:$0x10080] =	vst v63  }
0x86: {  	_ =	swait.ge [sflag:s7], $0x8000  }
0x87: {  	[sflag:s7] =	ssyncset.done $0x0  }
0x88: {  	[sflag:s7] =	ssyncadd.s32 $0xFFFF8000  }
0x89: {  	[tilespmem:s5], [sflag:$0x2] =	stream.strided.gather [hbm4b:s9+s3], $0x8000, s4, s3, $0x38;
	[tilespmem:$0x10080] =	vst v63  }
0x8a: {  	_ =	swait.ge [sflag:s6], $0x8000  }
0x8b: {  	[sflag:s6] =	ssyncset.done $0x0  }
0x8c: {  	[sflag:s6] =	ssyncadd.s32 $0xFFFF8000  }
0x8d: {  	[tilespmem:s2], [sflag:$0x1] =	stream.strided.gather [hbm4b:s10+s3], $0x8000, s4, s3, $0x38;
	[tilespmem:$0x10080] =	vst v63  }
0x8e: {  	_ =	swait.ge [sflag:s7], $0x8000  }
0x8f: {  	[sflag:s7] =	ssyncset.done $0x0  }
0x90: {  	[sflag:s7] =	ssyncadd.s32 $0xFFFF8000  }
0x91: {  	[tilespmem:s5], [sflag:$0x2] =	stream.strided.gather [hbm4b:s11+s3], $0x8000, s4, s3, $0x38;
	[tilespmem:$0x10080] =	vst v63  }
0x92: {  	_ =	swait.ge [sflag:s6], $0x8000  }
0x93: {  	[sflag:s6] =	ssyncset.done $0x0  }
0x94: {  	[sflag:s6] =	ssyncadd.s32 $0xFFFF8000  }
0x95: {  	[tilespmem:s2], [sflag:$0x1] =	stream.strided.gather [hbm4b:s12+s3], $0x8000, s4, s3, $0x38;
	[tilespmem:$0x10080] =	vst v63  }
0x96: {  	_ =	swait.ge [sflag:s7], $0x8000  }
0x97: {  	[sflag:s7] =	ssyncset.done $0x0  }
0x98: {  	[sflag:s7] =	ssyncadd.s32 $0xFFFF8000  }
0x99: {  	[tilespmem:s5], [sflag:$0x2] =	stream.strided.gather [hbm4b:s13+s3], $0x8000, s4, s3, $0x38;
	[tilespmem:$0x10080] =	vst v63  }
0x9a: {  	_ =	swait.ge [sflag:s6], $0x8000  }
0x9b: {  	[sflag:s6] =	ssyncset.done $0x0  }
0x9c: {  	[sflag:s6] =	ssyncadd.s32 $0xFFFF8000  }
0x9d: {  	[tilespmem:s2], [sflag:$0x1] =	stream.strided.gather [hbm4b:s14+s3], $0x8000, s4, s3, $0x38;
	[tilespmem:$0x10080] =	vst v63  }
0x9e: {  	_ =	swait.ge [sflag:s7], $0x8000  }
0x9f: {  	[sflag:s7] =	ssyncset.done $0x0  }
0xa0: {  	[sflag:s7] =	ssyncadd.s32 $0xFFFF8000  }
0xa1: {  	[tilespmem:s5], [sflag:$0x2] =	stream.strided.gather [hbm4b:s15+s3], $0x8000, s4, s3, $0x38;
	[tilespmem:$0x10080] =	vst v63  }
0xa2: {  	_ =	swait.ge [sflag:s6], $0x8000  }
0xa3: {  	[sflag:s6] =	ssyncset.done $0x0  }
0xa4: {  	[sflag:s6] =	ssyncadd.s32 $0xFFFF8000  }
0xa5: {  	[tilespmem:s2], [sflag:$0x1] =	stream.strided.gather [hbm4b:s16+s3], $0x8000, s4, s3, $0x38;
	[tilespmem:$0x10080] =	vst v63  }
0xa6: {  	_ =	swait.ge [sflag:s7], $0x8000  }
0xa7: {  	[sflag:s7] =	ssyncset.done $0x0  }
0xa8: {  	[sflag:s7] =	ssyncadd.s32 $0xFFFF8000  }
0xa9: {  	[tilespmem:s5], [sflag:$0x2] =	stream.strided.gather [hbm4b:s17+s3], $0x8000, s4, s3, $0x38;
	[tilespmem:$0x10080] =	vst v63  }
0xaa: {  	_ =	swait.ge [sflag:s6], $0x8000  }
0xab: {  	[sflag:s6] =	ssyncset.done $0x0  }
0xac: {  	[sflag:s6] =	ssyncadd.s32 $0xFFFF8000  }
0xad: {  	[tilespmem:s2], [sflag:$0x1] =	stream.strided.gather [hbm4b:s18+s3], $0x8000, s4, s3, $0x38;
	[tilespmem:$0x10080] =	vst v63  }
0xae: {  	_ =	swait.ge [sflag:s7], $0x8000  }
0xaf: {  	[sflag:s7] =	ssyncset.done $0x0  }
0xb0: {  	[sflag:s7] =	ssyncadd.s32 $0xFFFF8000  }
0xb1: {  	[tilespmem:s5], [sflag:$0x2] =	stream.strided.gather [hbm4b:s19+s3], $0x8000, s4, s3, $0x38;
	[tilespmem:$0x10080] =	vst v63  }
0xb2: {  	_ =	swait.ge [sflag:s6], $0x8000  }
0xb3: {  	[sflag:s6] =	ssyncset.done $0x0  }
0xb4: {  	[sflag:s6] =	ssyncadd.s32 $0xFFFF8000  }
0xb5: {  	[tilespmem:s2], [sflag:$0x1] =	stream.strided.gather [hbm4b:s20+s3], $0x8000, s4, s3, $0x38;
	[tilespmem:$0x10080] =	vst v63  }
0xb6: {  	_ =	swait.ge [sflag:s7], $0x8000  }
0xb7: {  	[sflag:s7] =	ssyncset.done $0x0  }
0xb8: {  	[sflag:s7] =	ssyncadd.s32 $0xFFFF8000  }
0xb9: {  	[tilespmem:s5], [sflag:$0x2] =	stream.strided.gather [hbm4b:s21+s3], $0x8000, s4, s3, $0x38;
	[tilespmem:$0x10080] =	vst v63  }
0xba: {  	_ =	swait.ge [sflag:s6], $0x8000  }
0xbb: {  	[sflag:s6] =	ssyncset.done $0x0  }
0xbc: {  	[sflag:s6] =	ssyncadd.s32 $0xFFFF8000  }
0xbd: {  	[tilespmem:s2], [sflag:$0x1] =	stream.strided.gather [hbm4b:s22+s3], $0x8000, s4, s3, $0x38;
	[tilespmem:$0x10080] =	vst v63  }
0xbe: {  	_ =	swait.ge [sflag:s7], $0x8000  }
0xbf: {  	[sflag:s7] =	ssyncset.done $0x0  }
0xc0: {  	[sflag:s7] =	ssyncadd.s32 $0xFFFF8000  }
0xc1: {  	[tilespmem:s5], [sflag:$0x2] =	stream.strided.gather [hbm4b:s23+s3], $0x8000, s4, s3, $0x38;
	[tilespmem:$0x10080] =	vst v63  }
0xc2: {  	_ =	swait.ge [sflag:s6], $0x8000  }
0xc3: {  	[sflag:s6] =	ssyncset.done $0x0  }
0xc4: {  	[sflag:s6] =	ssyncadd.s32 $0xFFFF8000  }
0xc5: {  	[tilespmem:s2], [sflag:$0x1] =	stream.strided.gather [hbm4b:s24+s3], $0x8000, s4, s3, $0x38;
	[tilespmem:$0x10080] =	vst v63  }
0xc6: {  	_ =	swait.ge [sflag:s7], $0x8000  }
0xc7: {  	[sflag:s7] =	ssyncset.done $0x0  }
0xc8: {  	[sflag:s7] =	ssyncadd.s32 $0xFFFF8000  }
0xc9: {  	[tilespmem:s5], [sflag:$0x2] =	stream.strided.gather [hbm4b:s25+s3], $0x8000, s4, s3, $0x38;
	[tilespmem:$0x10080] =	vst v63  }
0xca: {  	_ =	swait.ge [sflag:s6], $0x8000  }
0xcb: {  	[sflag:s6] =	ssyncset.done $0x0  }
0xcc: {  	[sflag:s6] =	ssyncadd.s32 $0xFFFF8000  }
0xcd: {  	[tilespmem:s2], [sflag:$0x1] =	stream.strided.gather [hbm4b:s26+s3], $0x8000, s4, s3, $0x38;
	[tilespmem:$0x10080] =	vst v63  }
0xce: {  	_ =	swait.ge [sflag:s7], $0x8000  }
0xcf: {  	[sflag:s7] =	ssyncset.done $0x0  }
0xd0: {  	[sflag:s7] =	ssyncadd.s32 $0xFFFF8000  }
0xd1: {  	[tilespmem:s5], [sflag:$0x2] =	stream.strided.gather [hbm4b:s28+s3], $0x8000, s4, s3, $0x38;
	[tilespmem:$0x10080] =	vst v63  }
0xd2: {  	_ =	swait.ge [sflag:s6], $0x8000  }
0xd3: {  	[sflag:s6] =	ssyncset.done $0x0  }
0xd4: {  	[sflag:s6] =	ssyncadd.s32 $0xFFFF8000  }
0xd5: {  	_ =	swait.ge [sflag:s7], $0x8000  }
0xd6: {  	[sflag:s7] =	ssyncset.done $0x0  }
0xd7: {  	[sflag:s7] =	ssyncadd.s32 $0xFFFF8000  }
0xd8: {  	v0 =	vld [tilespmem:$0x0];
	_ =	sdelay $0x1  }
0xd9: {  	p0 =	sne.s32 s1, $0x1  }
.Ltmp1:
0xda: {  	_ = 	snop;
	(pc) =	sbr.rel @p0 .LBB2_1-.Ltmp1, $4  }
0xdb: {  	_ = 	snop  }
0xdc: {  	s30 =	simm.s32 $0x10000;
	[tilespmem:$0x10000] =	vst v0  }
0xdd: {  	[hbm4b:s29+s2] =	stream.linear.scatter [tilespmem:s30], [sflag:$0x3], $0x80, $0x38;
	[tilespmem:$0x10080] =	vst v63  }
0xde: {  	s1 =	sadd.s32 $0xFFFFFFFF, s1;
	_ =	swait.ge [sflag:s31], $0x80  }
.LBB2_2:
0xdf: {  	[sflag:s31] =	ssyncset.done $0x0  }
0xe0: {  	[sflag:s31] =	ssyncadd.s32 $0xFFFFFF80  }
0xe1: {  	_ =	sfence.sel $0x180000  }
0xe2: {  	[bflag:$0x0] =	sbarrier.arrive $0xFFFF  }
0xe3: {  	_ =	strace $0x90000047  }
0xe4: {  	s0 =	stileid.u32;
	[bflag:$0x2] =	sbarrier.arrive $0xFFFF  }
0xe5: {  	p0 =	sne.s32 s0, $0x0;
	s0 =	rddreg [dreg:$0x1]  }
0xe6: {  	s0 =	sadd.s32 @!p0 $0x100000, s0  }
0xe7: {  	[sflag:s0] =	ssyncadd.tile.s32 @!p0 $0x1;
	_ =	shalt  }
.Lfunc_end2:
_tile_overlayer_lowered:
.L_overlay_start_2:
0xe8: {  	(tag) =	ssettag $0x2  }
0xe9: {  	s0 =	rddreg [dreg:$0x0];
	s2 =	stileid.u32  }
0xea: {  	s1 =	rddreg [dreg:$0x1];
	p0 =	sne.s32 s2, $0x0  }
0xeb: {  	s3 =	rddreg [dreg:$0x2];
	[bflag:$0x3] =	sbarrier.arrive $0xFFFF;
	s2 =	simm.s32 @!p0 $0x1C03  }
0xec: {  	[timem:s3], [sflag:s2] =	dma.local @!p0 [hbm:s0], s1  }
0xed: {  	s0 =	simm.s32 @!p0 $0x3  }
0xee: {  	_ =	swait.ge @!p0 [sflag:s0], s1  }
0xef: {  	s1 =	ssub.s32 @!p0 $0x0, s1;
	[sflag:s0] =	ssyncset.done @!p0 $0x0  }
0xf0: {  	[sflag:s0] =	ssyncadd.s32 @!p0 s1  }
0xf1: {  	[bflag:$0x3] =	sbarrier.arrive $0xFFFF  }
0xf2: {  	_ =	shalt  }

</sc_bundles>
